<compile_context>
chip_gen: v7x
topology: tpu7x:2x2x1
jax: 0.10.2.dev20260603
libtpu: 0.0.44.dev20260713+nightly
codegen_flags: <defaults>
</compile_context>

<pallas_src>
import functools

import jax
import jax.numpy as jnp
from jax import lax
from jax.experimental import pallas as pl
from jax.experimental.pallas import tpu as pltpu
from jax.experimental.pallas import tpu_sc as plsc

FEAT = 128
N_ROWS = 100000
K_NEG = 2048
KP1 = K_NEG + 1
TEMP = 0.07
MOM = 0.5
B = 256
EPS_ = 1e-07

NC = 2
NS = 16
NW = NC * NS
TOTAL = B * KP1
CHUNK = 128
CPT = 136
PAD_TOTAL = NW * CPT * CHUNK
ROWS_PT = B // NW
MM_BLK = 2000


def _mm_body(m1_ref, m2_ref, ft_ref, fs_ref, g12_ref, c1_ref, c2_ref):
    a1 = m1_ref[...]
    a2 = m2_ref[...]
    dn = (((1,), (1,)), ((), ()))
    g1 = lax.dot_general(a1.astype(jnp.bfloat16),
                         ft_ref[...].astype(jnp.bfloat16), dn,
                         preferred_element_type=jnp.float32)
    g2 = lax.dot_general(a2.astype(jnp.bfloat16),
                         fs_ref[...].astype(jnp.bfloat16), dn,
                         preferred_element_type=jnp.float32)
    p1 = lax.bitcast_convert_type(g1.astype(jnp.bfloat16),
                                  jnp.uint16).astype(jnp.uint32)
    p2 = lax.bitcast_convert_type(g2.astype(jnp.bfloat16),
                                  jnp.uint16).astype(jnp.uint32)
    packed = lax.bitcast_convert_type(p1 | (p2 << 16), jnp.int32)
    g12_ref[:MM_BLK] = packed[:, :FEAT]
    g12_ref[MM_BLK:] = packed[:, FEAT:]
    c1_ref[...] = a1
    c2_ref[...] = a2


def _matmul_copy(m1, m2, ft, fs):
    grid = N_ROWS // MM_BLK
    return pl.pallas_call(
        _mm_body,
        grid=(grid,),
        in_specs=[
            pl.BlockSpec((MM_BLK, FEAT), lambda i: (i, 0)),
            pl.BlockSpec((MM_BLK, FEAT), lambda i: (i, 0)),
            pl.BlockSpec((B, FEAT), lambda i: (0, 0)),
            pl.BlockSpec((B, FEAT), lambda i: (0, 0)),
        ],
        out_specs=[
            pl.BlockSpec((2 * MM_BLK, FEAT), lambda i: (i, 0)),
            pl.BlockSpec((MM_BLK, FEAT), lambda i: (i, 0)),
            pl.BlockSpec((MM_BLK, FEAT), lambda i: (i, 0)),
        ],
        out_shape=[
            jax.ShapeDtypeStruct((2 * N_ROWS, FEAT), jnp.int32),
            jax.ShapeDtypeStruct((N_ROWS, FEAT), jnp.float32),
            jax.ShapeDtypeStruct((N_ROWS, FEAT), jnp.float32),
        ],
        compiler_params=pltpu.CompilerParams(
            dimension_semantics=("parallel",)),
    )(m1, m2, ft, fs)


def _sc_gather_body(addr_hbm, g12_hbm, idx_hbm, m1_hbm, m2_hbm,
                    o12_hbm, r1_hbm, r2_hbm,
                    addr_v, b12, idx_v, rb1, rb2, sem, sem2):
    wid = lax.axis_index("s") * NC + lax.axis_index("c")

    pltpu.sync_copy(addr_hbm.at[pl.ds(wid * CPT, CPT)], addr_v)
    pltpu.sync_copy(idx_hbm.at[wid], idx_v)

    depth = 16

    def fire(j):
        pltpu.make_async_copy(g12_hbm.at[addr_v.at[j]], b12.at[j], sem).start()

    def drain(j):
        pltpu.make_async_copy(g12_hbm.at[addr_v.at[j]], b12.at[j], sem).wait()

    for j in range(depth):
        fire(j)

    pltpu.async_copy(m1_hbm.at[idx_v], rb1, sem2).wait()
    pltpu.async_copy(m2_hbm.at[idx_v], rb2, sem2).wait()
    pltpu.sync_copy(rb1, r1_hbm.at[wid])
    pltpu.sync_copy(rb2, r2_hbm.at[wid])

    def loop_body(j, carry):
        fire(j)
        drain(j - depth)
        return carry

    lax.fori_loop(depth, CPT, loop_body, 0)

    def tail_body(j, carry):
        drain(j)
        return carry

    lax.fori_loop(CPT - depth, CPT, tail_body, 0)

    pltpu.sync_copy(b12, o12_hbm.at[pl.ds(wid * CPT, CPT)])


def _sc_gather(addr, g12_packed, idx_t, m1, m2):
    mesh = plsc.VectorSubcoreMesh(core_axis_name="c", subcore_axis_name="s")
    fn = functools.partial(
        pl.kernel,
        out_type=(
            jax.ShapeDtypeStruct((NW * CPT, CHUNK), jnp.int32),
            jax.ShapeDtypeStruct((NW, ROWS_PT, FEAT), jnp.float32),
            jax.ShapeDtypeStruct((NW, ROWS_PT, FEAT), jnp.float32),
        ),
        mesh=mesh,
        scratch_types=[
            pltpu.VMEM((CPT, CHUNK), jnp.int32),
            pltpu.VMEM((CPT, CHUNK), jnp.int32),
            pltpu.VMEM((ROWS_PT,), jnp.int32),
            pltpu.VMEM((ROWS_PT, FEAT), jnp.float32),
            pltpu.VMEM((ROWS_PT, FEAT), jnp.float32),
            pltpu.SemaphoreType.DMA,
            pltpu.SemaphoreType.DMA,
        ],
    )(_sc_gather_body)
    return fn(addr, g12_packed, idx_t, m1, m2)


D12_ROWS = NW * CPT
VALID_ROWS = TOTAL // CHUNK


def _loss_body(d12_ref, r1_ref, r2_ref, fs_ref, ft_ref,
               loss_ref, u1_ref, u2_ref):
    m_pn = float(K_NEG) / float(N_ROWS)
    u = d12_ref[...]
    d1 = lax.bitcast_convert_type(
        (u & 0xFFFF).astype(jnp.uint16), jnp.bfloat16).astype(jnp.float32)
    d2 = lax.bitcast_convert_type(
        ((u >> 16) & 0xFFFF).astype(jnp.uint16),
        jnp.bfloat16).astype(jnp.float32)
    rowid = lax.broadcasted_iota(jnp.int32, (D12_ROWS, CHUNK), 0)
    valid = rowid < VALID_ROWS
    e1 = jnp.exp(d1 * (1.0 / TEMP))
    e2 = jnp.exp(d2 * (1.0 / TEMP))
    z1 = jnp.sum(jnp.where(valid, e1, 0.0)) * (float(N_ROWS) / float(TOTAL))
    z2 = jnp.sum(jnp.where(valid, e2, 0.0)) * (float(N_ROWS) / float(TOTAL))

    def neg_logsum(e, z):
        l0 = jnp.log(m_pn / (e / z + m_pn + EPS_))
        return jnp.sum(jnp.where(valid, l0, 0.0))

    def pos_terms(r, f, z):
        ep = jnp.exp(jnp.sum(r * f, axis=1) * (1.0 / TEMP))
        p = ep / z
        s1 = jnp.sum(jnp.log(p / (p + m_pn + EPS_)))
        corr = jnp.sum(jnp.log(m_pn / (p + m_pn + EPS_)))
        return s1, corr

    s1_1, corr1 = pos_terms(r1_ref[...], ft_ref[...], z1)
    s1_2, corr2 = pos_terms(r2_ref[...], fs_ref[...], z2)
    loss1 = -(s1_1 + neg_logsum(e1, z1) - corr1) / float(B)
    loss2 = -(s1_2 + neg_logsum(e2, z2) - corr2) / float(B)
    loss_ref[0, 0] = loss1 + loss2

    def upd(r, f):
        pos = r * MOM + f * (1.0 - MOM)
        nrm = jnp.sqrt(jnp.sum(pos * pos, axis=1, keepdims=True))
        return pos / nrm

    u1_ref[...] = upd(r1_ref[...], fs_ref[...])
    u2_ref[...] = upd(r2_ref[...], ft_ref[...])


def _loss_update(d12, r1, r2, f_s, f_t):
    return pl.pallas_call(
        _loss_body,
        in_specs=[pl.BlockSpec(memory_space=pltpu.VMEM)] * 5,
        out_specs=[
            pl.BlockSpec(memory_space=pltpu.SMEM),
            pl.BlockSpec(memory_space=pltpu.VMEM),
            pl.BlockSpec(memory_space=pltpu.VMEM),
        ],
        out_shape=[
            jax.ShapeDtypeStruct((1, 1), jnp.float32),
            jax.ShapeDtypeStruct((B, FEAT), jnp.float32),
            jax.ShapeDtypeStruct((B, FEAT), jnp.float32),
        ],
    )(d12, r1, r2, f_s, f_t)


def _scatter_body(idx_ref, valid_ref, u1_ref, u2_ref, c1_ref, c2_ref,
                  o1_ref, o2_ref, sem1, sem2):
    win = 16

    def fire(j):
        r = idx_ref[j]

        @pl.when(valid_ref[j] == 1)
        def _():
            pltpu.make_async_copy(
                u1_ref.at[pl.ds(j, 1)], o1_ref.at[pl.ds(r, 1)], sem1).start()
            pltpu.make_async_copy(
                u2_ref.at[pl.ds(j, 1)], o2_ref.at[pl.ds(r, 1)], sem2).start()

    def drain(j):
        r = idx_ref[j]

        @pl.when(valid_ref[j] == 1)
        def _():
            pltpu.make_async_copy(
                u1_ref.at[pl.ds(j, 1)], o1_ref.at[pl.ds(r, 1)], sem1).wait()
            pltpu.make_async_copy(
                u2_ref.at[pl.ds(j, 1)], o2_ref.at[pl.ds(r, 1)], sem2).wait()

    def loop_body(j, carry):
        fire(j)

        @pl.when(j >= win)
        def _():
            drain(j - win)

        return carry

    lax.fori_loop(0, B, loop_body, 0)

    def tail(j, carry):
        drain(j)
        return carry

    lax.fori_loop(B - win, B, tail, 0)


def _scatter(idx, valid, u1, u2, c1, c2):
    return pl.pallas_call(
        _scatter_body,
        in_specs=[
            pl.BlockSpec(memory_space=pltpu.SMEM),
            pl.BlockSpec(memory_space=pltpu.SMEM),
            pl.BlockSpec(memory_space=pltpu.VMEM),
            pl.BlockSpec(memory_space=pltpu.VMEM),
            pl.BlockSpec(memory_space=pl.ANY),
            pl.BlockSpec(memory_space=pl.ANY),
        ],
        out_specs=[
            pl.BlockSpec(memory_space=pl.ANY),
            pl.BlockSpec(memory_space=pl.ANY),
        ],
        out_shape=[
            jax.ShapeDtypeStruct((N_ROWS, FEAT), jnp.float32),
            jax.ShapeDtypeStruct((N_ROWS, FEAT), jnp.float32),
        ],
        input_output_aliases={4: 0, 5: 1},
        scratch_shapes=[pltpu.SemaphoreType.DMA, pltpu.SemaphoreType.DMA],
    )(idx, valid, u1, u2, c1, c2)


def kernel(f_s, f_t, idx, contrast_idx, memory_v1, memory_v2):
    g12, c1, c2 = _matmul_copy(memory_v1, memory_v2, f_t, f_s)

    idx_mat = jnp.concatenate([idx[:, None], contrast_idx], axis=1)
    b_col = jnp.arange(B, dtype=jnp.int32)[:, None]
    g_row = ((idx_mat // MM_BLK) * 2 + b_col // FEAT) * MM_BLK + idx_mat % MM_BLK
    addr = (g_row * jnp.int32(FEAT) + b_col % FEAT).reshape(-1)
    addr = jnp.concatenate(
        [addr, jnp.zeros((PAD_TOTAL - TOTAL,), jnp.int32)]).reshape(
            NW * CPT, CHUNK)

    o12, r1, r2 = _sc_gather(addr, g12.reshape(-1),
                             idx.reshape(NW, ROWS_PT), memory_v1,
                             memory_v2)

    d12 = o12
    r1 = r1.reshape(B, FEAT)
    r2 = r2.reshape(B, FEAT)

    loss, u1, u2 = _loss_update(d12, r1, r2, f_s, f_t)

    j_ar = jnp.arange(B, dtype=jnp.int32)
    same = idx[:, None] == idx[None, :]
    winner = jnp.max(jnp.where(same, j_ar[None, :], -1), axis=1)
    valid = (winner == j_ar).astype(jnp.int32)

    new1, new2 = _scatter(idx, valid, u1, u2, c1, c2)
    return loss.reshape(()), new1, new2

# --- scband reference (transcript-rebuilt; emitter-appended) ---
"""Pipeline reference for scband-crdloss-64733747085905 (READ-ONLY COPY).

The authoritative reference and input builder live on the scoring server;
editing this copy changes nothing except your own understanding.
"""

import math
import jax, jax.numpy as jnp
import numpy as np

FEAT_DIM = 128
N_DATA = 100000
NCE_K = 2048
NCE_T = 0.07
NCE_M = 0.5
BSZ = 256
EPS = 1e-07


def setup_inputs(seed: int = 0):
    key = jax.random.key(seed)
    k1, k2, k3, k4, k5, k6 = jax.random.split(key, 6)
    stdv = 1.0 / math.sqrt(FEAT_DIM / 3.0)
    f_s = jax.random.normal(k1, (BSZ, FEAT_DIM), dtype=jnp.float32)
    f_t = jax.random.normal(k2, (BSZ, FEAT_DIM), dtype=jnp.float32)
    idx = jax.random.randint(k3, (BSZ,), 0, N_DATA, dtype=jnp.int32)
    contrast_idx = jax.random.randint(k4, (BSZ, NCE_K), 0, N_DATA, dtype=jnp.int32)
    memory_v1 = jax.random.uniform(k5, (N_DATA, FEAT_DIM), dtype=jnp.float32, minval=-stdv, maxval=stdv)
    memory_v2 = jax.random.uniform(k6, (N_DATA, FEAT_DIM), dtype=jnp.float32, minval=-stdv, maxval=stdv)
    return {"f_s": f_s, "f_t": f_t, "idx": idx, "contrast_idx": contrast_idx,
            "memory_v1": memory_v1, "memory_v2": memory_v2}


def _contrast_loss(x, n_data):
    # faithful port of _ContrastLoss (NCE Eq. 18)
    bsz = x.shape[0]
    m = x.shape[1] - 1
    Pn = 1.0 / float(n_data)
    P_pos = x[:, 0]
    log_D1 = jnp.log(P_pos / (P_pos + m * Pn + EPS))
    P_neg = x[:, 1:]
    log_D0 = jnp.log((m * Pn) / (P_neg + m * Pn + EPS))
    return -(jnp.sum(log_D1) + jnp.sum(log_D0)) / bsz


def _contrast_memory(v1, v2, idx, contrast_idx, memory_v1, memory_v2):
    bsz = v1.shape[0]
    # idx column 0 is the positive index (idx.select(1,0).copy_(y)), rest are negatives
    idx_mat = jnp.concatenate([idx[:, None], contrast_idx], axis=1)  # [bsz, K+1]
    flat = idx_mat.reshape(-1)
    # weights are index_select(...).detach() in torch -> stop_gradient here
    w1 = jax.lax.stop_gradient(jnp.take(memory_v1, flat, axis=0)).reshape(bsz, NCE_K + 1, FEAT_DIM)
    out_v2 = jnp.exp(jnp.einsum("bkd,bd->bk", w1, v2) / NCE_T)
    w2 = jax.lax.stop_gradient(jnp.take(memory_v2, flat, axis=0)).reshape(bsz, NCE_K + 1, FEAT_DIM)
    out_v1 = jnp.exp(jnp.einsum("bkd,bd->bk", w2, v1) / NCE_T)
    # Z constants computed on first pass: out.mean() * outputSize, treated as python floats (no grad)
    Z_v1 = jax.lax.stop_gradient(jnp.mean(out_v1) * N_DATA)
    Z_v2 = jax.lax.stop_gradient(jnp.mean(out_v2) * N_DATA)
    return out_v1 / Z_v1, out_v2 / Z_v2


def _update_memory(mem, idx, v):
    # momentum update + L2 renormalization, done under no_grad in torch
    pos = jnp.take(mem, idx, axis=0) * NCE_M + jax.lax.stop_gradient(v) * (1.0 - NCE_M)
    norm = jnp.sqrt(jnp.sum(pos * pos, axis=1, keepdims=True))
    return mem.at[idx].set(pos / norm)


def reference(f_s, f_t, idx, contrast_idx, memory_v1, memory_v2):
    # feats = ([f_s], f_t): single student feature, so update=True on this (last) iteration
    v2 = jax.lax.stop_gradient(f_t)  # f_t = feats[-1].clone().detach()
    out_s, out_t = _contrast_memory(f_s, v2, idx, contrast_idx, memory_v1, memory_v2)
    loss = _contrast_loss(out_s, N_DATA) + _contrast_loss(out_t, N_DATA)
    new_mem_v1 = _update_memory(memory_v1, idx, f_s)
    new_mem_v2 = _update_memory(memory_v2, idx, v2)
    return loss, new_mem_v1, new_mem_v2

if __name__ == "__main__":
    import jax
    _d = setup_inputs()
    print(jax.jit(kernel)(*tuple(_d.values())))

</pallas_src>

<mosaic_0001>
#map = affine_map<(d0, d1) -> (0, 0)>
#map1 = affine_map<(d0, d1) -> (0)>
#map2 = affine_map<(d0, d1) -> (0, 0, 0)>
module attributes {stable_mosaic.version = 14 : i64} {
  func.func @_sc_gather_body(%arg0: i32, %arg1: i32, %arg2: memref<4352x128xi32, #tpu.memory_space<hbm>>, %arg3: memref<25600000xi32, #tpu.memory_space<hbm>>, %arg4: memref<32x8xi32, #tpu.memory_space<hbm>>, %arg5: memref<100000x128xf32, #tpu.memory_space<hbm>>, %arg6: memref<100000x128xf32, #tpu.memory_space<hbm>>, %arg7: memref<4352x128xi32, #tpu.memory_space<hbm>>, %arg8: memref<32x8x128xf32, #tpu.memory_space<hbm>>, %arg9: memref<32x8x128xf32, #tpu.memory_space<hbm>>, %arg10: memref<136x128xi32, #tpu.memory_space<vmem>>, %arg11: memref<136x128xi32, #tpu.memory_space<vmem>>, %arg12: memref<8xi32, #tpu.memory_space<vmem>>, %arg13: memref<8x128xf32, #tpu.memory_space<vmem>>, %arg14: memref<8x128xf32, #tpu.memory_space<vmem>>, %arg15: memref<!tpu.dma_semaphore, #tpu.memory_space<semaphore_mem>>, %arg16: memref<!tpu.dma_semaphore, #tpu.memory_space<semaphore_mem>>) attributes {dimension_semantics = [#tpu.dimension_semantics<core_parallel>, #tpu.dimension_semantics<subcore_parallel>], iteration_bounds = array<i64: 2, 16>, scalar_prefetch = 0 : i64, scratch_operands = 7 : i64, tpu.core_type = #tpu.core_type<sc_vector_subcore>, window_params = [{transform_indices = #map}, {transform_indices = #map1}, {transform_indices = #map}, {transform_indices = #map}, {transform_indices = #map}, {transform_indices = #map}, {transform_indices = #map2}, {transform_indices = #map2}]} {
    %mul3A = arith.constant 2 : i32
    %mul3A_0 = arith.muli %arg1, %mul3A : i32
    %add3A = arith.addi %mul3A_0, %arg0 : i32
    %mul3A_1 = arith.constant 136 : i32
    %mul3A_2 = arith.muli %add3A, %mul3A_1 : i32
    "tpu.region"() ({
      %run_scoped3A = tpu.sem_alloc : memref<!tpu.dma_semaphore, #tpu.memory_space<semaphore_mem>>
      %dma_start3A_186 = arith.constant 0 : i32
      %dma_start3A_187 = tpu.memref_slice %arg2[%mul3A_2, %dma_start3A_186] : memref<4352x128xi32, #tpu.memory_space<hbm>> -> memref<136x128xi32, #tpu.memory_space<hbm>>
      %dma_start3A_188 = arith.constant 0 : i32
      %dma_start3A_189 = tpu.memref_slice %arg2[%mul3A_2, %dma_start3A_188] : memref<4352x128xi32, #tpu.memory_space<hbm>> -> memref<136x128xi32, #tpu.memory_space<hbm>>
      tpu.enqueue_dma source(%dma_start3A_189 : memref<136x128xi32, #tpu.memory_space<hbm>>) target(%arg10 : memref<136x128xi32, #tpu.memory_space<vmem>>) target_semaphore(%run_scoped3A : memref<!tpu.dma_semaphore, #tpu.memory_space<semaphore_mem>>)
      %dma_wait3A_190 = arith.constant 0 : i32
      %dma_wait3A_191 = tpu.memref_slice %arg2[%mul3A_2, %dma_wait3A_190] : memref<4352x128xi32, #tpu.memory_space<hbm>> -> memref<136x128xi32, #tpu.memory_space<hbm>>
      %dma_wait3A_192 = arith.constant 0 : i32
      %dma_wait3A_193 = tpu.memref_slice %arg2[%mul3A_2, %dma_wait3A_192] : memref<4352x128xi32, #tpu.memory_space<hbm>> -> memref<136x128xi32, #tpu.memory_space<hbm>>
      tpu.wait_dma2 semaphore(%run_scoped3A : memref<!tpu.dma_semaphore, #tpu.memory_space<semaphore_mem>>) src(%dma_wait3A_193 : memref<136x128xi32, #tpu.memory_space<hbm>>) dst(%arg10 : memref<136x128xi32, #tpu.memory_space<vmem>>)
      tpu.yield
    }) : () -> ()
    "tpu.region"() ({
      %run_scoped3A = tpu.sem_alloc : memref<!tpu.dma_semaphore, #tpu.memory_space<semaphore_mem>>
      %dma_start3A_186 = arith.constant 0 : i32
      %dma_start3A_187 = tpu.memref_slice %arg4[%add3A, %dma_start3A_186] : memref<32x8xi32, #tpu.memory_space<hbm>> -> memref<1x8xi32, #tpu.memory_space<hbm>>
      %dma_start3A_188 = tpu.memref_squeeze %dma_start3A_187 : memref<1x8xi32, #tpu.memory_space<hbm>> -> memref<8xi32, #tpu.memory_space<hbm>>
      %dma_start3A_189 = arith.constant 0 : i32
      %dma_start3A_190 = tpu.memref_slice %arg4[%add3A, %dma_start3A_189] : memref<32x8xi32, #tpu.memory_space<hbm>> -> memref<1x8xi32, #tpu.memory_space<hbm>>
      %dma_start3A_191 = tpu.memref_squeeze %dma_start3A_190 : memref<1x8xi32, #tpu.memory_space<hbm>> -> memref<8xi32, #tpu.memory_space<hbm>>
      tpu.enqueue_dma source(%dma_start3A_191 : memref<8xi32, #tpu.memory_space<hbm>>) target(%arg12 : memref<8xi32, #tpu.memory_space<vmem>>) target_semaphore(%run_scoped3A : memref<!tpu.dma_semaphore, #tpu.memory_space<semaphore_mem>>)
      %dma_wait3A_192 = arith.constant 0 : i32
      %dma_wait3A_193 = tpu.memref_slice %arg4[%add3A, %dma_wait3A_192] : memref<32x8xi32, #tpu.memory_space<hbm>> -> memref<1x8xi32, #tpu.memory_space<hbm>>
      %dma_wait3A_194 = tpu.memref_squeeze %dma_wait3A_193 : memref<1x8xi32, #tpu.memory_space<hbm>> -> memref<8xi32, #tpu.memory_space<hbm>>
      %dma_wait3A_195 = arith.constant 0 : i32
      %dma_wait3A_196 = tpu.memref_slice %arg4[%add3A, %dma_wait3A_195] : memref<32x8xi32, #tpu.memory_space<hbm>> -> memref<1x8xi32, #tpu.memory_space<hbm>>
      %dma_wait3A_197 = tpu.memref_squeeze %dma_wait3A_196 : memref<1x8xi32, #tpu.memory_space<hbm>> -> memref<8xi32, #tpu.memory_space<hbm>>
      tpu.wait_dma2 semaphore(%run_scoped3A : memref<!tpu.dma_semaphore, #tpu.memory_space<semaphore_mem>>) src(%dma_wait3A_197 : memref<8xi32, #tpu.memory_space<hbm>>) dst(%arg12 : memref<8xi32, #tpu.memory_space<vmem>>)
      tpu.yield
    }) : () -> ()
    %dma_start3A = arith.constant 0 : i32
    %dma_start3A_3 = arith.constant 0 : i32
    %dma_start3A_4 = arith.constant 0 : i32
    %dma_start3A_5 = tpu.memref_slice %arg11[%dma_start3A_3, %dma_start3A_4] : memref<136x128xi32, #tpu.memory_space<vmem>> -> memref<1x128xi32, #tpu.memory_space<vmem>>
    %dma_start3A_6 = tpu.memref_squeeze %dma_start3A_5 : memref<1x128xi32, #tpu.memory_space<vmem>> -> memref<128xi32, #tpu.memory_space<vmem>>
    %dma_start3A_7 = arith.constant 0 : i32
    %dma_start3A_8 = tpu.memref_slice %arg10[%dma_start3A, %dma_start3A_7] : memref<136x128xi32, #tpu.memory_space<vmem>> -> memref<1x128xi32, #tpu.memory_space<vmem>>
    %dma_start3A_9 = tpu.memref_squeeze %dma_start3A_8 : memref<1x128xi32, #tpu.memory_space<vmem>> -> memref<128xi32, #tpu.memory_space<vmem>>
    %dma_start3A_10 = arith.constant 0 : i32
    %dma_start3A_11 = tpu.memref_slice %arg3[%dma_start3A_10] : memref<25600000xi32, #tpu.memory_space<hbm>> -> memref<25600000xi32, #tpu.memory_space<hbm>>
    tpu.enqueue_indirect_dma source(%dma_start3A_11 : memref<25600000xi32, #tpu.memory_space<hbm>>) target(%dma_start3A_6 : memref<128xi32, #tpu.memory_space<vmem>>) offsets(%dma_start3A_9 : memref<128xi32, #tpu.memory_space<vmem>>) semaphore(%arg15 : memref<!tpu.dma_semaphore, #tpu.memory_space<semaphore_mem>>)
    %dma_start3A_12 = arith.constant 1 : i32
    %dma_start3A_13 = arith.constant 1 : i32
    %dma_start3A_14 = arith.constant 0 : i32
    %dma_start3A_15 = tpu.memref_slice %arg11[%dma_start3A_13, %dma_start3A_14] : memref<136x128xi32, #tpu.memory_space<vmem>> -> memref<1x128xi32, #tpu.memory_space<vmem>>
    %dma_start3A_16 = tpu.memref_squeeze %dma_start3A_15 : memref<1x128xi32, #tpu.memory_space<vmem>> -> memref<128xi32, #tpu.memory_space<vmem>>
    %dma_start3A_17 = arith.constant 0 : i32
    %dma_start3A_18 = tpu.memref_slice %arg10[%dma_start3A_12, %dma_start3A_17] : memref<136x128xi32, #tpu.memory_space<vmem>> -> memref<1x128xi32, #tpu.memory_space<vmem>>
    %dma_start3A_19 = tpu.memref_squeeze %dma_start3A_18 : memref<1x128xi32, #tpu.memory_space<vmem>> -> memref<128xi32, #tpu.memory_space<vmem>>
    %dma_start3A_20 = arith.constant 0 : i32
    %dma_start3A_21 = tpu.memref_slice %arg3[%dma_start3A_20] : memref<25600000xi32, #tpu.memory_space<hbm>> -> memref<25600000xi32, #tpu.memory_space<hbm>>
    tpu.enqueue_indirect_dma source(%dma_start3A_21 : memref<25600000xi32, #tpu.memory_space<hbm>>) target(%dma_start3A_16 : memref<128xi32, #tpu.memory_space<vmem>>) offsets(%dma_start3A_19 : memref<128xi32, #tpu.memory_space<vmem>>) semaphore(%arg15 : memref<!tpu.dma_semaphore, #tpu.memory_space<semaphore_mem>>)
    %dma_start3A_22 = arith.constant 2 : i32
    %dma_start3A_23 = arith.constant 2 : i32
    %dma_start3A_24 = arith.constant 0 : i32
    %dma_start3A_25 = tpu.memref_slice %arg11[%dma_start3A_23, %dma_start3A_24] : memref<136x128xi32, #tpu.memory_space<vmem>> -> memref<1x128xi32, #tpu.memory_space<vmem>>
    %dma_start3A_26 = tpu.memref_squeeze %dma_start3A_25 : memref<1x128xi32, #tpu.memory_space<vmem>> -> memref<128xi32, #tpu.memory_space<vmem>>
    %dma_start3A_27 = arith.constant 0 : i32
    %dma_start3A_28 = tpu.memref_slice %arg10[%dma_start3A_22, %dma_start3A_27] : memref<136x128xi32, #tpu.memory_space<vmem>> -> memref<1x128xi32, #tpu.memory_space<vmem>>
    %dma_start3A_29 = tpu.memref_squeeze %dma_start3A_28 : memref<1x128xi32, #tpu.memory_space<vmem>> -> memref<128xi32, #tpu.memory_space<vmem>>
    %dma_start3A_30 = arith.constant 0 : i32
    %dma_start3A_31 = tpu.memref_slice %arg3[%dma_start3A_30] : memref<25600000xi32, #tpu.memory_space<hbm>> -> memref<25600000xi32, #tpu.memory_space<hbm>>
    tpu.enqueue_indirect_dma source(%dma_start3A_31 : memref<25600000xi32, #tpu.memory_space<hbm>>) target(%dma_start3A_26 : memref<128xi32, #tpu.memory_space<vmem>>) offsets(%dma_start3A_29 : memref<128xi32, #tpu.memory_space<vmem>>) semaphore(%arg15 : memref<!tpu.dma_semaphore, #tpu.memory_space<semaphore_mem>>)
    %dma_start3A_32 = arith.constant 3 : i32
    %dma_start3A_33 = arith.constant 3 : i32
    %dma_start3A_34 = arith.constant 0 : i32
    %dma_start3A_35 = tpu.memref_slice %arg11[%dma_start3A_33, %dma_start3A_34] : memref<136x128xi32, #tpu.memory_space<vmem>> -> memref<1x128xi32, #tpu.memory_space<vmem>>
    %dma_start3A_36 = tpu.memref_squeeze %dma_start3A_35 : memref<1x128xi32, #tpu.memory_space<vmem>> -> memref<128xi32, #tpu.memory_space<vmem>>
    %dma_start3A_37 = arith.constant 0 : i32
    %dma_start3A_38 = tpu.memref_slice %arg10[%dma_start3A_32, %dma_start3A_37] : memref<136x128xi32, #tpu.memory_space<vmem>> -> memref<1x128xi32, #tpu.memory_space<vmem>>
    %dma_start3A_39 = tpu.memref_squeeze %dma_start3A_38 : memref<1x128xi32, #tpu.memory_space<vmem>> -> memref<128xi32, #tpu.memory_space<vmem>>
    %dma_start3A_40 = arith.constant 0 : i32
    %dma_start3A_41 = tpu.memref_slice %arg3[%dma_start3A_40] : memref<25600000xi32, #tpu.memory_space<hbm>> -> memref<25600000xi32, #tpu.memory_space<hbm>>
    tpu.enqueue_indirect_dma source(%dma_start3A_41 : memref<25600000xi32, #tpu.memory_space<hbm>>) target(%dma_start3A_36 : memref<128xi32, #tpu.memory_space<vmem>>) offsets(%dma_start3A_39 : memref<128xi32, #tpu.memory_space<vmem>>) semaphore(%arg15 : memref<!tpu.dma_semaphore, #tpu.memory_space<semaphore_mem>>)
    %dma_start3A_42 = arith.constant 4 : i32
    %dma_start3A_43 = arith.constant 4 : i32
    %dma_start3A_44 = arith.constant 0 : i32
    %dma_start3A_45 = tpu.memref_slice %arg11[%dma_start3A_43, %dma_start3A_44] : memref<136x128xi32, #tpu.memory_space<vmem>> -> memref<1x128xi32, #tpu.memory_space<vmem>>
    %dma_start3A_46 = tpu.memref_squeeze %dma_start3A_45 : memref<1x128xi32, #tpu.memory_space<vmem>> -> memref<128xi32, #tpu.memory_space<vmem>>
    %dma_start3A_47 = arith.constant 0 : i32
    %dma_start3A_48 = tpu.memref_slice %arg10[%dma_start3A_42, %dma_start3A_47] : memref<136x128xi32, #tpu.memory_space<vmem>> -> memref<1x128xi32, #tpu.memory_space<vmem>>
    %dma_start3A_49 = tpu.memref_squeeze %dma_start3A_48 : memref<1x128xi32, #tpu.memory_space<vmem>> -> memref<128xi32, #tpu.memory_space<vmem>>
    %dma_start3A_50 = arith.constant 0 : i32
    %dma_start3A_51 = tpu.memref_slice %arg3[%dma_start3A_50] : memref<25600000xi32, #tpu.memory_space<hbm>> -> memref<25600000xi32, #tpu.memory_space<hbm>>
    tpu.enqueue_indirect_dma source(%dma_start3A_51 : memref<25600000xi32, #tpu.memory_space<hbm>>) target(%dma_start3A_46 : memref<128xi32, #tpu.memory_space<vmem>>) offsets(%dma_start3A_49 : memref<128xi32, #tpu.memory_space<vmem>>) semaphore(%arg15 : memref<!tpu.dma_semaphore, #tpu.memory_space<semaphore_mem>>)
    %dma_start3A_52 = arith.constant 5 : i32
    %dma_start3A_53 = arith.constant 5 : i32
    %dma_start3A_54 = arith.constant 0 : i32
    %dma_start3A_55 = tpu.memref_slice %arg11[%dma_start3A_53, %dma_start3A_54] : memref<136x128xi32, #tpu.memory_space<vmem>> -> memref<1x128xi32, #tpu.memory_space<vmem>>
    %dma_start3A_56 = tpu.memref_squeeze %dma_start3A_55 : memref<1x128xi32, #tpu.memory_space<vmem>> -> memref<128xi32, #tpu.memory_space<vmem>>
    %dma_start3A_57 = arith.constant 0 : i32
    %dma_start3A_58 = tpu.memref_slice %arg10[%dma_start3A_52, %dma_start3A_57] : memref<136x128xi32, #tpu.memory_space<vmem>> -> memref<1x128xi32, #tpu.memory_space<vmem>>
    %dma_start3A_59 = tpu.memref_squeeze %dma_start3A_58 : memref<1x128xi32, #tpu.memory_space<vmem>> -> memref<128xi32, #tpu.memory_space<vmem>>
    %dma_start3A_60 = arith.constant 0 : i32
    %dma_start3A_61 = tpu.memref_slice %arg3[%dma_start3A_60] : memref<25600000xi32, #tpu.memory_space<hbm>> -> memref<25600000xi32, #tpu.memory_space<hbm>>
    tpu.enqueue_indirect_dma source(%dma_start3A_61 : memref<25600000xi32, #tpu.memory_space<hbm>>) target(%dma_start3A_56 : memref<128xi32, #tpu.memory_space<vmem>>) offsets(%dma_start3A_59 : memref<128xi32, #tpu.memory_space<vmem>>) semaphore(%arg15 : memref<!tpu.dma_semaphore, #tpu.memory_space<semaphore_mem>>)
    %dma_start3A_62 = arith.constant 6 : i32
    %dma_start3A_63 = arith.constant 6 : i32
    %dma_start3A_64 = arith.constant 0 : i32
    %dma_start3A_65 = tpu.memref_slice %arg11[%dma_start3A_63, %dma_start3A_64] : memref<136x128xi32, #tpu.memory_space<vmem>> -> memref<1x128xi32, #tpu.memory_space<vmem>>
    %dma_start3A_66 = tpu.memref_squeeze %dma_start3A_65 : memref<1x128xi32, #tpu.memory_space<vmem>> -> memref<128xi32, #tpu.memory_space<vmem>>
    %dma_start3A_67 = arith.constant 0 : i32
    %dma_start3A_68 = tpu.memref_slice %arg10[%dma_start3A_62, %dma_start3A_67] : memref<136x128xi32, #tpu.memory_space<vmem>> -> memref<1x128xi32, #tpu.memory_space<vmem>>
    %dma_start3A_69 = tpu.memref_squeeze %dma_start3A_68 : memref<1x128xi32, #tpu.memory_space<vmem>> -> memref<128xi32, #tpu.memory_space<vmem>>
    %dma_start3A_70 = arith.constant 0 : i32
    %dma_start3A_71 = tpu.memref_slice %arg3[%dma_start3A_70] : memref<25600000xi32, #tpu.memory_space<hbm>> -> memref<25600000xi32, #tpu.memory_space<hbm>>
    tpu.enqueue_indirect_dma source(%dma_start3A_71 : memref<25600000xi32, #tpu.memory_space<hbm>>) target(%dma_start3A_66 : memref<128xi32, #tpu.memory_space<vmem>>) offsets(%dma_start3A_69 : memref<128xi32, #tpu.memory_space<vmem>>) semaphore(%arg15 : memref<!tpu.dma_semaphore, #tpu.memory_space<semaphore_mem>>)
    %dma_start3A_72 = arith.constant 7 : i32
    %dma_start3A_73 = arith.constant 7 : i32
    %dma_start3A_74 = arith.constant 0 : i32
    %dma_start3A_75 = tpu.memref_slice %arg11[%dma_start3A_73, %dma_start3A_74] : memref<136x128xi32, #tpu.memory_space<vmem>> -> memref<1x128xi32, #tpu.memory_space<vmem>>
    %dma_start3A_76 = tpu.memref_squeeze %dma_start3A_75 : memref<1x128xi32, #tpu.memory_space<vmem>> -> memref<128xi32, #tpu.memory_space<vmem>>
    %dma_start3A_77 = arith.constant 0 : i32
    %dma_start3A_78 = tpu.memref_slice %arg10[%dma_start3A_72, %dma_start3A_77] : memref<136x128xi32, #tpu.memory_space<vmem>> -> memref<1x128xi32, #tpu.memory_space<vmem>>
    %dma_start3A_79 = tpu.memref_squeeze %dma_start3A_78 : memref<1x128xi32, #tpu.memory_space<vmem>> -> memref<128xi32, #tpu.memory_space<vmem>>
    %dma_start3A_80 = arith.constant 0 : i32
    %dma_start3A_81 = tpu.memref_slice %arg3[%dma_start3A_80] : memref<25600000xi32, #tpu.memory_space<hbm>> -> memref<25600000xi32, #tpu.memory_space<hbm>>
    tpu.enqueue_indirect_dma source(%dma_start3A_81 : memref<25600000xi32, #tpu.memory_space<hbm>>) target(%dma_start3A_76 : memref<128xi32, #tpu.memory_space<vmem>>) offsets(%dma_start3A_79 : memref<128xi32, #tpu.memory_space<vmem>>) semaphore(%arg15 : memref<!tpu.dma_semaphore, #tpu.memory_space<semaphore_mem>>)
    %dma_start3A_82 = arith.constant 8 : i32
    %dma_start3A_83 = arith.constant 8 : i32
    %dma_start3A_84 = arith.constant 0 : i32
    %dma_start3A_85 = tpu.memref_slice %arg11[%dma_start3A_83, %dma_start3A_84] : memref<136x128xi32, #tpu.memory_space<vmem>> -> memref<1x128xi32, #tpu.memory_space<vmem>>
    %dma_start3A_86 = tpu.memref_squeeze %dma_start3A_85 : memref<1x128xi32, #tpu.memory_space<vmem>> -> memref<128xi32, #tpu.memory_space<vmem>>
    %dma_start3A_87 = arith.constant 0 : i32
    %dma_start3A_88 = tpu.memref_slice %arg10[%dma_start3A_82, %dma_start3A_87] : memref<136x128xi32, #tpu.memory_space<vmem>> -> memref<1x128xi32, #tpu.memory_space<vmem>>
    %dma_start3A_89 = tpu.memref_squeeze %dma_start3A_88 : memref<1x128xi32, #tpu.memory_space<vmem>> -> memref<128xi32, #tpu.memory_space<vmem>>
    %dma_start3A_90 = arith.constant 0 : i32
    %dma_start3A_91 = tpu.memref_slice %arg3[%dma_start3A_90] : memref<25600000xi32, #tpu.memory_space<hbm>> -> memref<25600000xi32, #tpu.memory_space<hbm>>
    tpu.enqueue_indirect_dma source(%dma_start3A_91 : memref<25600000xi32, #tpu.memory_space<hbm>>) target(%dma_start3A_86 : memref<128xi32, #tpu.memory_space<vmem>>) offsets(%dma_start3A_89 : memref<128xi32, #tpu.memory_space<vmem>>) semaphore(%arg15 : memref<!tpu.dma_semaphore, #tpu.memory_space<semaphore_mem>>)
    %dma_start3A_92 = arith.constant 9 : i32
    %dma_start3A_93 = arith.constant 9 : i32
    %dma_start3A_94 = arith.constant 0 : i32
    %dma_start3A_95 = tpu.memref_slice %arg11[%dma_start3A_93, %dma_start3A_94] : memref<136x128xi32, #tpu.memory_space<vmem>> -> memref<1x128xi32, #tpu.memory_space<vmem>>
    %dma_start3A_96 = tpu.memref_squeeze %dma_start3A_95 : memref<1x128xi32, #tpu.memory_space<vmem>> -> memref<128xi32, #tpu.memory_space<vmem>>
    %dma_start3A_97 = arith.constant 0 : i32
    %dma_start3A_98 = tpu.memref_slice %arg10[%dma_start3A_92, %dma_start3A_97] : memref<136x128xi32, #tpu.memory_space<vmem>> -> memref<1x128xi32, #tpu.memory_space<vmem>>
    %dma_start3A_99 = tpu.memref_squeeze %dma_start3A_98 : memref<1x128xi32, #tpu.memory_space<vmem>> -> memref<128xi32, #tpu.memory_space<vmem>>
    %dma_start3A_100 = arith.constant 0 : i32
    %dma_start3A_101 = tpu.memref_slice %arg3[%dma_start3A_100] : memref<25600000xi32, #tpu.memory_space<hbm>> -> memref<25600000xi32, #tpu.memory_space<hbm>>
    tpu.enqueue_indirect_dma source(%dma_start3A_101 : memref<25600000xi32, #tpu.memory_space<hbm>>) target(%dma_start3A_96 : memref<128xi32, #tpu.memory_space<vmem>>) offsets(%dma_start3A_99 : memref<128xi32, #tpu.memory_space<vmem>>) semaphore(%arg15 : memref<!tpu.dma_semaphore, #tpu.memory_space<semaphore_mem>>)
    %dma_start3A_102 = arith.constant 10 : i32
    %dma_start3A_103 = arith.constant 10 : i32
    %dma_start3A_104 = arith.constant 0 : i32
    %dma_start3A_105 = tpu.memref_slice %arg11[%dma_start3A_103, %dma_start3A_104] : memref<136x128xi32, #tpu.memory_space<vmem>> -> memref<1x128xi32, #tpu.memory_space<vmem>>
    %dma_start3A_106 = tpu.memref_squeeze %dma_start3A_105 : memref<1x128xi32, #tpu.memory_space<vmem>> -> memref<128xi32, #tpu.memory_space<vmem>>
    %dma_start3A_107 = arith.constant 0 : i32
    %dma_start3A_108 = tpu.memref_slice %arg10[%dma_start3A_102, %dma_start3A_107] : memref<136x128xi32, #tpu.memory_space<vmem>> -> memref<1x128xi32, #tpu.memory_space<vmem>>
    %dma_start3A_109 = tpu.memref_squeeze %dma_start3A_108 : memref<1x128xi32, #tpu.memory_space<vmem>> -> memref<128xi32, #tpu.memory_space<vmem>>
    %dma_start3A_110 = arith.constant 0 : i32
    %dma_start3A_111 = tpu.memref_slice %arg3[%dma_start3A_110] : memref<25600000xi32, #tpu.memory_space<hbm>> -> memref<25600000xi32, #tpu.memory_space<hbm>>
    tpu.enqueue_indirect_dma source(%dma_start3A_111 : memref<25600000xi32, #tpu.memory_space<hbm>>) target(%dma_start3A_106 : memref<128xi32, #tpu.memory_space<vmem>>) offsets(%dma_start3A_109 : memref<128xi32, #tpu.memory_space<vmem>>) semaphore(%arg15 : memref<!tpu.dma_semaphore, #tpu.memory_space<semaphore_mem>>)
    %dma_start3A_112 = arith.constant 11 : i32
    %dma_start3A_113 = arith.constant 11 : i32
    %dma_start3A_114 = arith.constant 0 : i32
    %dma_start3A_115 = tpu.memref_slice %arg11[%dma_start3A_113, %dma_start3A_114] : memref<136x128xi32, #tpu.memory_space<vmem>> -> memref<1x128xi32, #tpu.memory_space<vmem>>
    %dma_start3A_116 = tpu.memref_squeeze %dma_start3A_115 : memref<1x128xi32, #tpu.memory_space<vmem>> -> memref<128xi32, #tpu.memory_space<vmem>>
    %dma_start3A_117 = arith.constant 0 : i32
    %dma_start3A_118 = tpu.memref_slice %arg10[%dma_start3A_112, %dma_start3A_117] : memref<136x128xi32, #tpu.memory_space<vmem>> -> memref<1x128xi32, #tpu.memory_space<vmem>>
    %dma_start3A_119 = tpu.memref_squeeze %dma_start3A_118 : memref<1x128xi32, #tpu.memory_space<vmem>> -> memref<128xi32, #tpu.memory_space<vmem>>
    %dma_start3A_120 = arith.constant 0 : i32
    %dma_start3A_121 = tpu.memref_slice %arg3[%dma_start3A_120] : memref<25600000xi32, #tpu.memory_space<hbm>> -> memref<25600000xi32, #tpu.memory_space<hbm>>
    tpu.enqueue_indirect_dma source(%dma_start3A_121 : memref<25600000xi32, #tpu.memory_space<hbm>>) target(%dma_start3A_116 : memref<128xi32, #tpu.memory_space<vmem>>) offsets(%dma_start3A_119 : memref<128xi32, #tpu.memory_space<vmem>>) semaphore(%arg15 : memref<!tpu.dma_semaphore, #tpu.memory_space<semaphore_mem>>)
    %dma_start3A_122 = arith.constant 12 : i32
    %dma_start3A_123 = arith.constant 12 : i32
    %dma_start3A_124 = arith.constant 0 : i32
    %dma_start3A_125 = tpu.memref_slice %arg11[%dma_start3A_123, %dma_start3A_124] : memref<136x128xi32, #tpu.memory_space<vmem>> -> memref<1x128xi32, #tpu.memory_space<vmem>>
    %dma_start3A_126 = tpu.memref_squeeze %dma_start3A_125 : memref<1x128xi32, #tpu.memory_space<vmem>> -> memref<128xi32, #tpu.memory_space<vmem>>
    %dma_start3A_127 = arith.constant 0 : i32
    %dma_start3A_128 = tpu.memref_slice %arg10[%dma_start3A_122, %dma_start3A_127] : memref<136x128xi32, #tpu.memory_space<vmem>> -> memref<1x128xi32, #tpu.memory_space<vmem>>
    %dma_start3A_129 = tpu.memref_squeeze %dma_start3A_128 : memref<1x128xi32, #tpu.memory_space<vmem>> -> memref<128xi32, #tpu.memory_space<vmem>>
    %dma_start3A_130 = arith.constant 0 : i32
    %dma_start3A_131 = tpu.memref_slice %arg3[%dma_start3A_130] : memref<25600000xi32, #tpu.memory_space<hbm>> -> memref<25600000xi32, #tpu.memory_space<hbm>>
    tpu.enqueue_indirect_dma source(%dma_start3A_131 : memref<25600000xi32, #tpu.memory_space<hbm>>) target(%dma_start3A_126 : memref<128xi32, #tpu.memory_space<vmem>>) offsets(%dma_start3A_129 : memref<128xi32, #tpu.memory_space<vmem>>) semaphore(%arg15 : memref<!tpu.dma_semaphore, #tpu.memory_space<semaphore_mem>>)
    %dma_start3A_132 = arith.constant 13 : i32
    %dma_start3A_133 = arith.constant 13 : i32
    %dma_start3A_134 = arith.constant 0 : i32
    %dma_start3A_135 = tpu.memref_slice %arg11[%dma_start3A_133, %dma_start3A_134] : memref<136x128xi32, #tpu.memory_space<vmem>> -> memref<1x128xi32, #tpu.memory_space<vmem>>
    %dma_start3A_136 = tpu.memref_squeeze %dma_start3A_135 : memref<1x128xi32, #tpu.memory_space<vmem>> -> memref<128xi32, #tpu.memory_space<vmem>>
    %dma_start3A_137 = arith.constant 0 : i32
    %dma_start3A_138 = tpu.memref_slice %arg10[%dma_start3A_132, %dma_start3A_137] : memref<136x128xi32, #tpu.memory_space<vmem>> -> memref<1x128xi32, #tpu.memory_space<vmem>>
    %dma_start3A_139 = tpu.memref_squeeze %dma_start3A_138 : memref<1x128xi32, #tpu.memory_space<vmem>> -> memref<128xi32, #tpu.memory_space<vmem>>
    %dma_start3A_140 = arith.constant 0 : i32
    %dma_start3A_141 = tpu.memref_slice %arg3[%dma_start3A_140] : memref<25600000xi32, #tpu.memory_space<hbm>> -> memref<25600000xi32, #tpu.memory_space<hbm>>
    tpu.enqueue_indirect_dma source(%dma_start3A_141 : memref<25600000xi32, #tpu.memory_space<hbm>>) target(%dma_start3A_136 : memref<128xi32, #tpu.memory_space<vmem>>) offsets(%dma_start3A_139 : memref<128xi32, #tpu.memory_space<vmem>>) semaphore(%arg15 : memref<!tpu.dma_semaphore, #tpu.memory_space<semaphore_mem>>)
    %dma_start3A_142 = arith.constant 14 : i32
    %dma_start3A_143 = arith.constant 14 : i32
    %dma_start3A_144 = arith.constant 0 : i32
    %dma_start3A_145 = tpu.memref_slice %arg11[%dma_start3A_143, %dma_start3A_144] : memref<136x128xi32, #tpu.memory_space<vmem>> -> memref<1x128xi32, #tpu.memory_space<vmem>>
    %dma_start3A_146 = tpu.memref_squeeze %dma_start3A_145 : memref<1x128xi32, #tpu.memory_space<vmem>> -> memref<128xi32, #tpu.memory_space<vmem>>
    %dma_start3A_147 = arith.constant 0 : i32
    %dma_start3A_148 = tpu.memref_slice %arg10[%dma_start3A_142, %dma_start3A_147] : memref<136x128xi32, #tpu.memory_space<vmem>> -> memref<1x128xi32, #tpu.memory_space<vmem>>
    %dma_start3A_149 = tpu.memref_squeeze %dma_start3A_148 : memref<1x128xi32, #tpu.memory_space<vmem>> -> memref<128xi32, #tpu.memory_space<vmem>>
    %dma_start3A_150 = arith.constant 0 : i32
    %dma_start3A_151 = tpu.memref_slice %arg3[%dma_start3A_150] : memref<25600000xi32, #tpu.memory_space<hbm>> -> memref<25600000xi32, #tpu.memory_space<hbm>>
    tpu.enqueue_indirect_dma source(%dma_start3A_151 : memref<25600000xi32, #tpu.memory_space<hbm>>) target(%dma_start3A_146 : memref<128xi32, #tpu.memory_space<vmem>>) offsets(%dma_start3A_149 : memref<128xi32, #tpu.memory_space<vmem>>) semaphore(%arg15 : memref<!tpu.dma_semaphore, #tpu.memory_space<semaphore_mem>>)
    %dma_start3A_152 = arith.constant 15 : i32
    %dma_start3A_153 = arith.constant 15 : i32
    %dma_start3A_154 = arith.constant 0 : i32
    %dma_start3A_155 = tpu.memref_slice %arg11[%dma_start3A_153, %dma_start3A_154] : memref<136x128xi32, #tpu.memory_space<vmem>> -> memref<1x128xi32, #tpu.memory_space<vmem>>
    %dma_start3A_156 = tpu.memref_squeeze %dma_start3A_155 : memref<1x128xi32, #tpu.memory_space<vmem>> -> memref<128xi32, #tpu.memory_space<vmem>>
    %dma_start3A_157 = arith.constant 0 : i32
    %dma_start3A_158 = tpu.memref_slice %arg10[%dma_start3A_152, %dma_start3A_157] : memref<136x128xi32, #tpu.memory_space<vmem>> -> memref<1x128xi32, #tpu.memory_space<vmem>>
    %dma_start3A_159 = tpu.memref_squeeze %dma_start3A_158 : memref<1x128xi32, #tpu.memory_space<vmem>> -> memref<128xi32, #tpu.memory_space<vmem>>
    %dma_start3A_160 = arith.constant 0 : i32
    %dma_start3A_161 = tpu.memref_slice %arg3[%dma_start3A_160] : memref<25600000xi32, #tpu.memory_space<hbm>> -> memref<25600000xi32, #tpu.memory_space<hbm>>
    tpu.enqueue_indirect_dma source(%dma_start3A_161 : memref<25600000xi32, #tpu.memory_space<hbm>>) target(%dma_start3A_156 : memref<128xi32, #tpu.memory_space<vmem>>) offsets(%dma_start3A_159 : memref<128xi32, #tpu.memory_space<vmem>>) semaphore(%arg15 : memref<!tpu.dma_semaphore, #tpu.memory_space<semaphore_mem>>)
    %dma_start3A_162 = arith.constant 0 : i32
    %dma_start3A_163 = arith.constant 0 : i32
    %dma_start3A_164 = tpu.memref_slice %arg5[%dma_start3A_162, %dma_start3A_163] : memref<100000x128xf32, #tpu.memory_space<hbm>> -> memref<100000x128xf32, #tpu.memory_space<hbm>>
    tpu.enqueue_indirect_dma source(%dma_start3A_164 : memref<100000x128xf32, #tpu.memory_space<hbm>>) target(%arg13 : memref<8x128xf32, #tpu.memory_space<vmem>>) offsets(%arg12 : memref<8xi32, #tpu.memory_space<vmem>>) semaphore(%arg16 : memref<!tpu.dma_semaphore, #tpu.memory_space<semaphore_mem>>)
    %dma_wait3A = arith.constant 0 : i32
    %dma_wait3A_165 = arith.constant 0 : i32
    %dma_wait3A_166 = tpu.memref_slice %arg5[%dma_wait3A, %dma_wait3A_165] : memref<100000x128xf32, #tpu.memory_space<hbm>> -> memref<100000x128xf32, #tpu.memory_space<hbm>>
    tpu.wait_indirect_dma semaphore(%arg16 : memref<!tpu.dma_semaphore, #tpu.memory_space<semaphore_mem>>) src(%dma_wait3A_166 : memref<100000x128xf32, #tpu.memory_space<hbm>>) dst(%arg13 : memref<8x128xf32, #tpu.memory_space<vmem>>)
    %dma_start3A_167 = arith.constant 0 : i32
    %dma_start3A_168 = arith.constant 0 : i32
    %dma_start3A_169 = tpu.memref_slice %arg6[%dma_start3A_167, %dma_start3A_168] : memref<100000x128xf32, #tpu.memory_space<hbm>> -> memref<100000x128xf32, #tpu.memory_space<hbm>>
    tpu.enqueue_indirect_dma source(%dma_start3A_169 : memref<100000x128xf32, #tpu.memory_space<hbm>>) target(%arg14 : memref<8x128xf32, #tpu.memory_space<vmem>>) offsets(%arg12 : memref<8xi32, #tpu.memory_space<vmem>>) semaphore(%arg16 : memref<!tpu.dma_semaphore, #tpu.memory_space<semaphore_mem>>)
    %dma_wait3A_170 = arith.constant 0 : i32
    %dma_wait3A_171 = arith.constant 0 : i32
    %dma_wait3A_172 = tpu.memref_slice %arg6[%dma_wait3A_170, %dma_wait3A_171] : memref<100000x128xf32, #tpu.memory_space<hbm>> -> memref<100000x128xf32, #tpu.memory_space<hbm>>
    tpu.wait_indirect_dma semaphore(%arg16 : memref<!tpu.dma_semaphore, #tpu.memory_space<semaphore_mem>>) src(%dma_wait3A_172 : memref<100000x128xf32, #tpu.memory_space<hbm>>) dst(%arg14 : memref<8x128xf32, #tpu.memory_space<vmem>>)
    "tpu.region"() ({
      %run_scoped3A = tpu.sem_alloc : memref<!tpu.dma_semaphore, #tpu.memory_space<semaphore_mem>>
      %dma_start3A_186 = arith.constant 0 : i32
      %dma_start3A_187 = arith.constant 0 : i32
      %dma_start3A_188 = tpu.memref_slice %arg8[%add3A, %dma_start3A_186, %dma_start3A_187] : memref<32x8x128xf32, #tpu.memory_space<hbm>> -> memref<1x8x128xf32, #tpu.memory_space<hbm>>
      %dma_start3A_189 = tpu.memref_squeeze %dma_start3A_188 : memref<1x8x128xf32, #tpu.memory_space<hbm>> -> memref<8x128xf32, #tpu.memory_space<hbm>>
      %dma_start3A_190 = arith.constant 0 : i32
      %dma_start3A_191 = arith.constant 0 : i32
      %dma_start3A_192 = tpu.memref_slice %arg8[%add3A, %dma_start3A_190, %dma_start3A_191] : memref<32x8x128xf32, #tpu.memory_space<hbm>> -> memref<1x8x128xf32, #tpu.memory_space<hbm>>
      %dma_start3A_193 = tpu.memref_squeeze %dma_start3A_192 : memref<1x8x128xf32, #tpu.memory_space<hbm>> -> memref<8x128xf32, #tpu.memory_space<hbm>>
      tpu.enqueue_dma source(%arg13 : memref<8x128xf32, #tpu.memory_space<vmem>>) target(%dma_start3A_193 : memref<8x128xf32, #tpu.memory_space<hbm>>) target_semaphore(%run_scoped3A : memref<!tpu.dma_semaphore, #tpu.memory_space<semaphore_mem>>)
      %dma_wait3A_194 = arith.constant 0 : i32
      %dma_wait3A_195 = arith.constant 0 : i32
      %dma_wait3A_196 = tpu.memref_slice %arg8[%add3A, %dma_wait3A_194, %dma_wait3A_195] : memref<32x8x128xf32, #tpu.memory_space<hbm>> -> memref<1x8x128xf32, #tpu.memory_space<hbm>>
      %dma_wait3A_197 = tpu.memref_squeeze %dma_wait3A_196 : memref<1x8x128xf32, #tpu.memory_space<hbm>> -> memref<8x128xf32, #tpu.memory_space<hbm>>
      %dma_wait3A_198 = arith.constant 0 : i32
      %dma_wait3A_199 = arith.constant 0 : i32
      %dma_wait3A_200 = tpu.memref_slice %arg8[%add3A, %dma_wait3A_198, %dma_wait3A_199] : memref<32x8x128xf32, #tpu.memory_space<hbm>> -> memref<1x8x128xf32, #tpu.memory_space<hbm>>
      %dma_wait3A_201 = tpu.memref_squeeze %dma_wait3A_200 : memref<1x8x128xf32, #tpu.memory_space<hbm>> -> memref<8x128xf32, #tpu.memory_space<hbm>>
      tpu.wait_dma2 semaphore(%run_scoped3A : memref<!tpu.dma_semaphore, #tpu.memory_space<semaphore_mem>>) src(%arg13 : memref<8x128xf32, #tpu.memory_space<vmem>>) dst(%dma_wait3A_201 : memref<8x128xf32, #tpu.memory_space<hbm>>)
      tpu.yield
    }) : () -> ()
    "tpu.region"() ({
      %run_scoped3A = tpu.sem_alloc : memref<!tpu.dma_semaphore, #tpu.memory_space<semaphore_mem>>
      %dma_start3A_186 = arith.constant 0 : i32
      %dma_start3A_187 = arith.constant 0 : i32
      %dma_start3A_188 = tpu.memref_slice %arg9[%add3A, %dma_start3A_186, %dma_start3A_187] : memref<32x8x128xf32, #tpu.memory_space<hbm>> -> memref<1x8x128xf32, #tpu.memory_space<hbm>>
      %dma_start3A_189 = tpu.memref_squeeze %dma_start3A_188 : memref<1x8x128xf32, #tpu.memory_space<hbm>> -> memref<8x128xf32, #tpu.memory_space<hbm>>
      %dma_start3A_190 = arith.constant 0 : i32
      %dma_start3A_191 = arith.constant 0 : i32
      %dma_start3A_192 = tpu.memref_slice %arg9[%add3A, %dma_start3A_190, %dma_start3A_191] : memref<32x8x128xf32, #tpu.memory_space<hbm>> -> memref<1x8x128xf32, #tpu.memory_space<hbm>>
      %dma_start3A_193 = tpu.memref_squeeze %dma_start3A_192 : memref<1x8x128xf32, #tpu.memory_space<hbm>> -> memref<8x128xf32, #tpu.memory_space<hbm>>
      tpu.enqueue_dma source(%arg14 : memref<8x128xf32, #tpu.memory_space<vmem>>) target(%dma_start3A_193 : memref<8x128xf32, #tpu.memory_space<hbm>>) target_semaphore(%run_scoped3A : memref<!tpu.dma_semaphore, #tpu.memory_space<semaphore_mem>>)
      %dma_wait3A_194 = arith.constant 0 : i32
      %dma_wait3A_195 = arith.constant 0 : i32
      %dma_wait3A_196 = tpu.memref_slice %arg9[%add3A, %dma_wait3A_194, %dma_wait3A_195] : memref<32x8x128xf32, #tpu.memory_space<hbm>> -> memref<1x8x128xf32, #tpu.memory_space<hbm>>
      %dma_wait3A_197 = tpu.memref_squeeze %dma_wait3A_196 : memref<1x8x128xf32, #tpu.memory_space<hbm>> -> memref<8x128xf32, #tpu.memory_space<hbm>>
      %dma_wait3A_198 = arith.constant 0 : i32
      %dma_wait3A_199 = arith.constant 0 : i32
      %dma_wait3A_200 = tpu.memref_slice %arg9[%add3A, %dma_wait3A_198, %dma_wait3A_199] : memref<32x8x128xf32, #tpu.memory_space<hbm>> -> memref<1x8x128xf32, #tpu.memory_space<hbm>>
      %dma_wait3A_201 = tpu.memref_squeeze %dma_wait3A_200 : memref<1x8x128xf32, #tpu.memory_space<hbm>> -> memref<8x128xf32, #tpu.memory_space<hbm>>
      tpu.wait_dma2 semaphore(%run_scoped3A : memref<!tpu.dma_semaphore, #tpu.memory_space<semaphore_mem>>) src(%arg14 : memref<8x128xf32, #tpu.memory_space<vmem>>) dst(%dma_wait3A_201 : memref<8x128xf32, #tpu.memory_space<hbm>>)
      tpu.yield
    }) : () -> ()
    %scan3A = arith.constant 0 : i32
    %scan3A_173 = arith.constant 16 : i32
    %scan3A_174 = arith.constant 120 : i32
    %scan3A_175 = arith.addi %scan3A_173, %scan3A_174 : i32
    %scan3A_176 = arith.constant 1 : i32
    scf.for %scan3A_186 = %scan3A_173 to %scan3A_175 step %scan3A_176  : i32 {
      %dma_start3A_187 = arith.constant 0 : i32
      %dma_start3A_188 = tpu.memref_slice %arg11[%scan3A_186, %dma_start3A_187] : memref<136x128xi32, #tpu.memory_space<vmem>> -> memref<1x128xi32, #tpu.memory_space<vmem>>
      %dma_start3A_189 = tpu.memref_squeeze %dma_start3A_188 : memref<1x128xi32, #tpu.memory_space<vmem>> -> memref<128xi32, #tpu.memory_space<vmem>>
      %dma_start3A_190 = arith.constant 0 : i32
      %dma_start3A_191 = tpu.memref_slice %arg10[%scan3A_186, %dma_start3A_190] : memref<136x128xi32, #tpu.memory_space<vmem>> -> memref<1x128xi32, #tpu.memory_space<vmem>>
      %dma_start3A_192 = tpu.memref_squeeze %dma_start3A_191 : memref<1x128xi32, #tpu.memory_space<vmem>> -> memref<128xi32, #tpu.memory_space<vmem>>
      %dma_start3A_193 = arith.constant 0 : i32
      %dma_start3A_194 = tpu.memref_slice %arg3[%dma_start3A_193] : memref<25600000xi32, #tpu.memory_space<hbm>> -> memref<25600000xi32, #tpu.memory_space<hbm>>
      tpu.enqueue_indirect_dma source(%dma_start3A_194 : memref<25600000xi32, #tpu.memory_space<hbm>>) target(%dma_start3A_189 : memref<128xi32, #tpu.memory_space<vmem>>) offsets(%dma_start3A_192 : memref<128xi32, #tpu.memory_space<vmem>>) semaphore(%arg15 : memref<!tpu.dma_semaphore, #tpu.memory_space<semaphore_mem>>)
      %sub3A = arith.constant 16 : i32
      %sub3A_195 = arith.subi %scan3A_186, %sub3A : i32
      %dma_wait3A_196 = arith.constant 0 : i32
      %dma_wait3A_197 = tpu.memref_slice %arg11[%sub3A_195, %dma_wait3A_196] : memref<136x128xi32, #tpu.memory_space<vmem>> -> memref<1x128xi32, #tpu.memory_space<vmem>>
      %dma_wait3A_198 = tpu.memref_squeeze %dma_wait3A_197 : memref<1x128xi32, #tpu.memory_space<vmem>> -> memref<128xi32, #tpu.memory_space<vmem>>
      %dma_wait3A_199 = arith.constant 0 : i32
      %dma_wait3A_200 = tpu.memref_slice %arg10[%sub3A_195, %dma_wait3A_199] : memref<136x128xi32, #tpu.memory_space<vmem>> -> memref<1x128xi32, #tpu.memory_space<vmem>>
      %dma_wait3A_201 = tpu.memref_squeeze %dma_wait3A_200 : memref<1x128xi32, #tpu.memory_space<vmem>> -> memref<128xi32, #tpu.memory_space<vmem>>
      %dma_wait3A_202 = arith.constant 0 : i32
      %dma_wait3A_203 = tpu.memref_slice %arg3[%dma_wait3A_202] : memref<25600000xi32, #tpu.memory_space<hbm>> -> memref<25600000xi32, #tpu.memory_space<hbm>>
      tpu.wait_indirect_dma semaphore(%arg15 : memref<!tpu.dma_semaphore, #tpu.memory_space<semaphore_mem>>) src(%dma_wait3A_203 : memref<25600000xi32, #tpu.memory_space<hbm>>) dst(%dma_wait3A_198 : memref<128xi32, #tpu.memory_space<vmem>>)
    }
    %scan3A_177 = arith.constant 120 : i32
    %scan3A_178 = arith.constant 0 : i32
    %scan3A_179 = arith.constant 120 : i32
    %scan3A_180 = arith.constant 16 : i32
    %scan3A_181 = arith.addi %scan3A_179, %scan3A_180 : i32
    %scan3A_182 = arith.constant 1 : i32
    scf.for %scan3A_186 = %scan3A_179 to %scan3A_181 step %scan3A_182  : i32 {
      %dma_wait3A_187 = arith.constant 0 : i32
      %dma_wait3A_188 = tpu.memref_slice %arg11[%scan3A_186, %dma_wait3A_187] : memref<136x128xi32, #tpu.memory_space<vmem>> -> memref<1x128xi32, #tpu.memory_space<vmem>>
      %dma_wait3A_189 = tpu.memref_squeeze %dma_wait3A_188 : memref<1x128xi32, #tpu.memory_space<vmem>> -> memref<128xi32, #tpu.memory_space<vmem>>
      %dma_wait3A_190 = arith.constant 0 : i32
      %dma_wait3A_191 = tpu.memref_slice %arg10[%scan3A_186, %dma_wait3A_190] : memref<136x128xi32, #tpu.memory_space<vmem>> -> memref<1x128xi32, #tpu.memory_space<vmem>>
      %dma_wait3A_192 = tpu.memref_squeeze %dma_wait3A_191 : memref<1x128xi32, #tpu.memory_space<vmem>> -> memref<128xi32, #tpu.memory_space<vmem>>
      %dma_wait3A_193 = arith.constant 0 : i32
      %dma_wait3A_194 = tpu.memref_slice %arg3[%dma_wait3A_193] : memref<25600000xi32, #tpu.memory_space<hbm>> -> memref<25600000xi32, #tpu.memory_space<hbm>>
      tpu.wait_indirect_dma semaphore(%arg15 : memref<!tpu.dma_semaphore, #tpu.memory_space<semaphore_mem>>) src(%dma_wait3A_194 : memref<25600000xi32, #tpu.memory_space<hbm>>) dst(%dma_wait3A_189 : memref<128xi32, #tpu.memory_space<vmem>>)
    }
    %scan3A_183 = arith.constant 16 : i32
    %mul3A_184 = arith.constant 136 : i32
    %mul3A_185 = arith.muli %add3A, %mul3A_184 : i32
    "tpu.region"() ({
      %run_scoped3A = tpu.sem_alloc : memref<!tpu.dma_semaphore, #tpu.memory_space<semaphore_mem>>
      %dma_start3A_186 = arith.constant 0 : i32
      %dma_start3A_187 = tpu.memref_slice %arg7[%mul3A_185, %dma_start3A_186] : memref<4352x128xi32, #tpu.memory_space<hbm>> -> memref<136x128xi32, #tpu.memory_space<hbm>>
      %dma_start3A_188 = arith.constant 0 : i32
      %dma_start3A_189 = tpu.memref_slice %arg7[%mul3A_185, %dma_start3A_188] : memref<4352x128xi32, #tpu.memory_space<hbm>> -> memref<136x128xi32, #tpu.memory_space<hbm>>
      tpu.enqueue_dma source(%arg11 : memref<136x128xi32, #tpu.memory_space<vmem>>) target(%dma_start3A_189 : memref<136x128xi32, #tpu.memory_space<hbm>>) target_semaphore(%run_scoped3A : memref<!tpu.dma_semaphore, #tpu.memory_space<semaphore_mem>>)
      %dma_wait3A_190 = arith.constant 0 : i32
      %dma_wait3A_191 = tpu.memref_slice %arg7[%mul3A_185, %dma_wait3A_190] : memref<4352x128xi32, #tpu.memory_space<hbm>> -> memref<136x128xi32, #tpu.memory_space<hbm>>
      %dma_wait3A_192 = arith.constant 0 : i32
      %dma_wait3A_193 = tpu.memref_slice %arg7[%mul3A_185, %dma_wait3A_192] : memref<4352x128xi32, #tpu.memory_space<hbm>> -> memref<136x128xi32, #tpu.memory_space<hbm>>
      tpu.wait_dma2 semaphore(%run_scoped3A : memref<!tpu.dma_semaphore, #tpu.memory_space<semaphore_mem>>) src(%arg11 : memref<136x128xi32, #tpu.memory_space<vmem>>) dst(%dma_wait3A_193 : memref<136x128xi32, #tpu.memory_space<hbm>>)
      tpu.yield
    }) : () -> ()
    return
  }
}

module attributes {stable_mosaic.version = 14 : i64} {
  func.func @_mm_body(%arg0: i32, %arg1: memref<2000x128xf32, #tpu.memory_space<vmem>>, %arg2: memref<2000x128xf32, #tpu.memory_space<vmem>>, %arg3: memref<256x128xf32, #tpu.memory_space<vmem>>, %arg4: memref<256x128xf32, #tpu.memory_space<vmem>>, %arg5: memref<4000x128xi32, #tpu.memory_space<vmem>>, %arg6: memref<2000x128xf32, #tpu.memory_space<vmem>>, %arg7: memref<2000x128xf32, #tpu.memory_space<vmem>>) attributes {dimension_semantics = [#tpu.dimension_semantics<parallel>], iteration_bounds = array<i64: 50>, scalar_prefetch = 0 : i64, scratch_operands = 0 : i64, tpu.core_type = #tpu.core_type<tc>, window_params = [{transform_indices = @transform_0, window_bounds = array<i64: 2000, 128>}, {transform_indices = @transform_1, window_bounds = array<i64: 2000, 128>}, {pipeline_mode = #tpu.pipeline_mode<synchronous>, transform_indices = @transform_2, window_bounds = array<i64: 256, 128>}, {pipeline_mode = #tpu.pipeline_mode<synchronous>, transform_indices = @transform_3, window_bounds = array<i64: 256, 128>}, {transform_indices = @transform_4, window_bounds = array<i64: 4000, 128>}, {transform_indices = @transform_5, window_bounds = array<i64: 2000, 128>}, {transform_indices = @transform_6, window_bounds = array<i64: 2000, 128>}]} {
    %get3A = arith.constant 0 : index
    %get3A_0 = arith.constant 0 : index
    %get3A_1 = vector.load %arg1[%get3A, %get3A_0] : memref<2000x128xf32, #tpu.memory_space<vmem>>, vector<2000x128xf32>
    %get3A_2 = arith.constant 0 : index
    %get3A_3 = arith.constant 0 : index
    %get3A_4 = vector.load %arg2[%get3A_2, %get3A_3] : memref<2000x128xf32, #tpu.memory_space<vmem>>, vector<2000x128xf32>
    %convert_element_type3A = arith.truncf %get3A_1 : vector<2000x128xf32> to vector<2000x128xbf16>
    %get3A_5 = arith.constant 0 : index
    %get3A_6 = arith.constant 0 : index
    %get3A_7 = vector.load %arg3[%get3A_5, %get3A_6] : memref<256x128xf32, #tpu.memory_space<vmem>>, vector<256x128xf32>
    %convert_element_type3A_8 = arith.truncf %get3A_7 : vector<256x128xf32> to vector<256x128xbf16>
    %dot_general3A = arith.constant dense<0.000000e+00> : vector<2000x256xf32>
    %dot_general3A_9 = tpu.matmul %convert_element_type3A, %convert_element_type3A_8, %dot_general3A {dimension_numbers = #tpu.dot_dimension_numbers<[1], [1], [0], [0], [0, 0, 1, 0], [], []>, transpose_lhs_hint = false} : vector<2000x128xbf16>, vector<256x128xbf16>, vector<2000x256xf32> -> vector<2000x256xf32>
    %convert_element_type3A_10 = arith.truncf %get3A_4 : vector<2000x128xf32> to vector<2000x128xbf16>
    %get3A_11 = arith.constant 0 : index
    %get3A_12 = arith.constant 0 : index
    %get3A_13 = vector.load %arg4[%get3A_11, %get3A_12] : memref<256x128xf32, #tpu.memory_space<vmem>>, vector<256x128xf32>
    %convert_element_type3A_14 = arith.truncf %get3A_13 : vector<256x128xf32> to vector<256x128xbf16>
    %dot_general3A_15 = arith.constant dense<0.000000e+00> : vector<2000x256xf32>
    %dot_general3A_16 = tpu.matmul %convert_element_type3A_10, %convert_element_type3A_14, %dot_general3A_15 {dimension_numbers = #tpu.dot_dimension_numbers<[1], [1], [0], [0], [0, 0, 1, 0], [], []>, transpose_lhs_hint = false} : vector<2000x128xbf16>, vector<256x128xbf16>, vector<2000x256xf32> -> vector<2000x256xf32>
    %convert_element_type3A_17 = arith.truncf %dot_general3A_9 : vector<2000x256xf32> to vector<2000x256xbf16>
    %bitcast_convert_type3A = tpu.bitcast %convert_element_type3A_17 : vector<2000x256xbf16> -> vector<2000x256xi16>
    %convert_element_type3A_18 = arith.extui %bitcast_convert_type3A : vector<2000x256xi16> to vector<2000x256xi32>
    %convert_element_type3A_19 = arith.truncf %dot_general3A_16 : vector<2000x256xf32> to vector<2000x256xbf16>
    %bitcast_convert_type3A_20 = tpu.bitcast %convert_element_type3A_19 : vector<2000x256xbf16> -> vector<2000x256xi16>
    %convert_element_type3A_21 = arith.extui %bitcast_convert_type3A_20 : vector<2000x256xi16> to vector<2000x256xi32>
    %shift_left3A = arith.constant 16 : i32
    %shift_left3A_22 = vector.broadcast %shift_left3A : i32 to vector<2000x256xi32>
    %shift_left3A_23 = arith.shli %convert_element_type3A_21, %shift_left3A_22 : vector<2000x256xi32>
    %or3A = arith.ori %convert_element_type3A_18, %shift_left3A_23 : vector<2000x256xi32>
    %bitcast_convert_type3A_24 = tpu.bitcast %or3A : vector<2000x256xi32> -> vector<2000x256xi32>
    %slice3A = vector.extract_strided_slice %bitcast_convert_type3A_24 {offsets = [0, 0], sizes = [2000, 128], strides = [1, 1]} : vector<2000x256xi32> to vector<2000x128xi32>
    %swap3A = arith.constant 0 : index
    %swap3A_25 = arith.constant 0 : index
    %swap3A_26 = vector.load %arg5[%swap3A, %swap3A_25] : memref<4000x128xi32, #tpu.memory_space<vmem>>, vector<2000x128xi32>
    tpu.vector_store %arg5[%swap3A, %swap3A_25], %slice3A {strides = array<i32>} : memref<4000x128xi32, #tpu.memory_space<vmem>>, vector<2000x128xi32>,
    %slice3A_27 = vector.extract_strided_slice %bitcast_convert_type3A_24 {offsets = [0, 128], sizes = [2000, 128], strides = [1, 1]} : vector<2000x256xi32> to vector<2000x128xi32>
    %swap3A_28 = arith.constant 2000 : index
    %swap3A_29 = arith.constant 0 : index
    %swap3A_30 = vector.load %arg5[%swap3A_28, %swap3A_29] : memref<4000x128xi32, #tpu.memory_space<vmem>>, vector<2000x128xi32>
    tpu.vector_store %arg5[%swap3A_28, %swap3A_29], %slice3A_27 {strides = array<i32>} : memref<4000x128xi32, #tpu.memory_space<vmem>>, vector<2000x128xi32>,
    %swap3A_31 = arith.constant 0 : index
    %swap3A_32 = arith.constant 0 : index
    %swap3A_33 = vector.load %arg6[%swap3A_31, %swap3A_32] : memref<2000x128xf32, #tpu.memory_space<vmem>>, vector<2000x128xf32>
    tpu.vector_store %arg6[%swap3A_31, %swap3A_32], %get3A_1 {strides = array<i32>} : memref<2000x128xf32, #tpu.memory_space<vmem>>, vector<2000x128xf32>,
    %swap3A_34 = arith.constant 0 : index
    %swap3A_35 = arith.constant 0 : index
    %swap3A_36 = vector.load %arg7[%swap3A_34, %swap3A_35] : memref<2000x128xf32, #tpu.memory_space<vmem>>, vector<2000x128xf32>
    tpu.vector_store %arg7[%swap3A_34, %swap3A_35], %get3A_4 {strides = array<i32>} : memref<2000x128xf32, #tpu.memory_space<vmem>>, vector<2000x128xf32>,
    return
  }
  func.func @transform_0(%arg0: i32) -> (i32, i32) {
    %c0_i32 = arith.constant 0 : i32
    %c0_i32_0 = arith.constant 0 : i32
    return %arg0, %c0_i32 : i32, i32
  }
  func.func @transform_1(%arg0: i32) -> (i32, i32) {
    %c0_i32 = arith.constant 0 : i32
    %c0_i32_0 = arith.constant 0 : i32
    return %arg0, %c0_i32 : i32, i32
  }
  func.func @transform_2(%arg0: i32) -> (i32, i32) {
    %c0_i32 = arith.constant 0 : i32
    %c0_i32_0 = arith.constant 0 : i32
    %c0_i32_1 = arith.constant 0 : i32
    return %c0_i32, %c0_i32_0 : i32, i32
  }
  func.func @transform_3(%arg0: i32) -> (i32, i32) {
    %c0_i32 = arith.constant 0 : i32
    %c0_i32_0 = arith.constant 0 : i32
    %c0_i32_1 = arith.constant 0 : i32
    return %c0_i32, %c0_i32_0 : i32, i32
  }
  func.func @transform_4(%arg0: i32) -> (i32, i32) {
    %c0_i32 = arith.constant 0 : i32
    %c0_i32_0 = arith.constant 0 : i32
    return %arg0, %c0_i32 : i32, i32
  }
  func.func @transform_5(%arg0: i32) -> (i32, i32) {
    %c0_i32 = arith.constant 0 : i32
    %c0_i32_0 = arith.constant 0 : i32
    return %arg0, %c0_i32 : i32, i32
  }
  func.func @transform_6(%arg0: i32) -> (i32, i32) {
    %c0_i32 = arith.constant 0 : i32
    %c0_i32_0 = arith.constant 0 : i32
    return %arg0, %c0_i32 : i32, i32
  }
}

module attributes {stable_mosaic.version = 14 : i64} {
  func.func @_loss_body(%arg0: memref<4352x128xi32, #tpu.memory_space<vmem>>, %arg1: memref<256x128xf32, #tpu.memory_space<vmem>>, %arg2: memref<256x128xf32, #tpu.memory_space<vmem>>, %arg3: memref<256x128xf32, #tpu.memory_space<vmem>>, %arg4: memref<256x128xf32, #tpu.memory_space<vmem>>, %arg5: memref<1x1xf32, #tpu.memory_space<smem>>, %arg6: memref<256x128xf32, #tpu.memory_space<vmem>>, %arg7: memref<256x128xf32, #tpu.memory_space<vmem>>) attributes {dimension_semantics = [], scalar_prefetch = 0 : i64, scratch_operands = 0 : i64, tpu.core_type = #tpu.core_type<tc>} {
    %get3A = arith.constant 0 : index
    %get3A_0 = arith.constant 0 : index
    %get3A_1 = vector.load %arg0[%get3A, %get3A_0] : memref<4352x128xi32, #tpu.memory_space<vmem>>, vector<4352x128xi32>
    %and3A = arith.constant 65535 : i32
    %and3A_2 = vector.broadcast %and3A : i32 to vector<4352x128xi32>
    %and3A_3 = arith.andi %get3A_1, %and3A_2 : vector<4352x128xi32>
    %convert_element_type3A = arith.trunci %and3A_3 : vector<4352x128xi32> to vector<4352x128xi16>
    %bitcast_convert_type3A = tpu.bitcast %convert_element_type3A : vector<4352x128xi16> -> vector<4352x128xbf16>
    %convert_element_type3A_4 = arith.extf %bitcast_convert_type3A : vector<4352x128xbf16> to vector<4352x128xf32>
    %shift_right_arithmetic3A = arith.constant 16 : i32
    %shift_right_arithmetic3A_5 = vector.broadcast %shift_right_arithmetic3A : i32 to vector<4352x128xi32>
    %shift_right_arithmetic3A_6 = arith.shrsi %get3A_1, %shift_right_arithmetic3A_5 : vector<4352x128xi32>
    %and3A_7 = arith.constant 65535 : i32
    %and3A_8 = vector.broadcast %and3A_7 : i32 to vector<4352x128xi32>
    %and3A_9 = arith.andi %shift_right_arithmetic3A_6, %and3A_8 : vector<4352x128xi32>
    %convert_element_type3A_10 = arith.trunci %and3A_9 : vector<4352x128xi32> to vector<4352x128xi16>
    %bitcast_convert_type3A_11 = tpu.bitcast %convert_element_type3A_10 : vector<4352x128xi16> -> vector<4352x128xbf16>
    %convert_element_type3A_12 = arith.extf %bitcast_convert_type3A_11 : vector<4352x128xbf16> to vector<4352x128xf32>
    %iota3A = tpu.iota {dimensions = array<i32: 0>} : vector<4352x128xi32>
    %lt3A = arith.constant 4098 : i32
    %lt3A_13 = vector.broadcast %lt3A : i32 to vector<4352x128xi32>
    %lt3A_14 = arith.cmpi slt, %iota3A, %lt3A_13 : vector<4352x128xi32>
    %mul3A = arith.constant 14.2857141 : f32
    %mul3A_15 = vector.broadcast %mul3A : f32 to vector<4352x128xf32>
    %mul3A_16 = arith.mulf %convert_element_type3A_4, %mul3A_15 : vector<4352x128xf32>
    %exp3A = math.exp %mul3A_16 : vector<4352x128xf32>
    %mul3A_17 = arith.constant 14.2857141 : f32
    %mul3A_18 = vector.broadcast %mul3A_17 : f32 to vector<4352x128xf32>
    %mul3A_19 = arith.mulf %convert_element_type3A_12, %mul3A_18 : vector<4352x128xf32>
    %exp3A_20 = math.exp %mul3A_19 : vector<4352x128xf32>
    %jit3A = arith.constant 0.000000e+00 : f32
    %broadcast_in_dim3A = vector.broadcast %jit3A : f32 to vector<4352x128xf32>
    %select_n3A = arith.select %lt3A_14, %exp3A, %broadcast_in_dim3A : vector<4352x128xi1>, vector<4352x128xf32>
    %reduce_sum3A = vector.shape_cast %select_n3A : vector<4352x128xf32> to vector<1x4352x128xf32>
    %reduce_sum3A_21 = arith.constant dense<0.000000e+00> : vector<1xf32>
    %reduce_sum3A_22 = vector.multi_reduction <add>, %reduce_sum3A, %reduce_sum3A_21 [1, 2] : vector<1x4352x128xf32> to vector<1xf32>
    %reduce_sum3A_23 = vector.shape_cast %reduce_sum3A_22 : vector<1xf32> to vector<1x1x1xf32>
    %reduce_sum3A_24 = vector.extract %reduce_sum3A_23[0, 0, 0] : f32 from vector<1x1x1xf32>
    %mul3A_25 = arith.constant 0.190641776 : f32
    %mul3A_26 = arith.mulf %reduce_sum3A_24, %mul3A_25 : f32
    %jit3A_27 = arith.constant 0.000000e+00 : f32
    %broadcast_in_dim3A_28 = vector.broadcast %jit3A_27 : f32 to vector<4352x128xf32>
    %select_n3A_29 = arith.select %lt3A_14, %exp3A_20, %broadcast_in_dim3A_28 : vector<4352x128xi1>, vector<4352x128xf32>
    %reduce_sum3A_30 = vector.shape_cast %select_n3A_29 : vector<4352x128xf32> to vector<1x4352x128xf32>
    %reduce_sum3A_31 = arith.constant dense<0.000000e+00> : vector<1xf32>
    %reduce_sum3A_32 = vector.multi_reduction <add>, %reduce_sum3A_30, %reduce_sum3A_31 [1, 2] : vector<1x4352x128xf32> to vector<1xf32>
    %reduce_sum3A_33 = vector.shape_cast %reduce_sum3A_32 : vector<1xf32> to vector<1x1x1xf32>
    %reduce_sum3A_34 = vector.extract %reduce_sum3A_33[0, 0, 0] : f32 from vector<1x1x1xf32>
    %mul3A_35 = arith.constant 0.190641776 : f32
    %mul3A_36 = arith.mulf %reduce_sum3A_34, %mul3A_35 : f32
    %get3A_37 = arith.constant 0 : index
    %get3A_38 = arith.constant 0 : index
    %get3A_39 = vector.load %arg1[%get3A_37, %get3A_38] : memref<256x128xf32, #tpu.memory_space<vmem>>, vector<256x128xf32>
    %get3A_40 = arith.constant 0 : index
    %get3A_41 = arith.constant 0 : index
    %get3A_42 = vector.load %arg4[%get3A_40, %get3A_41] : memref<256x128xf32, #tpu.memory_space<vmem>>, vector<256x128xf32>
    %mul3A_43 = arith.mulf %get3A_39, %get3A_42 : vector<256x128xf32>
    %reduce_sum3A_44 = arith.constant dense<0.000000e+00> : vector<256xf32>
    %reduce_sum3A_45 = vector.multi_reduction <add>, %mul3A_43, %reduce_sum3A_44 [1] : vector<256x128xf32> to vector<256xf32>
    %mul3A_46 = arith.constant 14.2857141 : f32
    %mul3A_47 = vector.broadcast %mul3A_46 : f32 to vector<256xf32>
    %mul3A_48 = arith.mulf %reduce_sum3A_45, %mul3A_47 : vector<256xf32>
    %exp3A_49 = math.exp %mul3A_48 : vector<256xf32>
    %div3A = vector.broadcast %mul3A_26 : f32 to vector<256xf32>
    %div3A_50 = arith.divf %exp3A_49, %div3A : vector<256xf32>
    %add3A = arith.constant 2.048000e-02 : f32
    %add3A_51 = vector.broadcast %add3A : f32 to vector<256xf32>
    %add3A_52 = arith.addf %div3A_50, %add3A_51 : vector<256xf32>
    %add3A_53 = arith.constant 1.000000e-07 : f32
    %add3A_54 = vector.broadcast %add3A_53 : f32 to vector<256xf32>
    %add3A_55 = arith.addf %add3A_52, %add3A_54 : vector<256xf32>
    %div3A_56 = arith.divf %div3A_50, %add3A_55 : vector<256xf32>
    %log3A = math.log %div3A_56 : vector<256xf32>
    %reduce_sum3A_57 = vector.shape_cast %log3A : vector<256xf32> to vector<1x256xf32>
    %reduce_sum3A_58 = arith.constant dense<0.000000e+00> : vector<1xf32>
    %reduce_sum3A_59 = vector.multi_reduction <add>, %reduce_sum3A_57, %reduce_sum3A_58 [1] : vector<1x256xf32> to vector<1xf32>
    %reduce_sum3A_60 = vector.shape_cast %reduce_sum3A_59 : vector<1xf32> to vector<1x1xf32>
    %reduce_sum3A_61 = vector.extract %reduce_sum3A_60[0, 0] : f32 from vector<1x1xf32>
    %add3A_62 = arith.constant 2.048000e-02 : f32
    %add3A_63 = vector.broadcast %add3A_62 : f32 to vector<256xf32>
    %add3A_64 = arith.addf %div3A_50, %add3A_63 : vector<256xf32>
    %add3A_65 = arith.constant 1.000000e-07 : f32
    %add3A_66 = vector.broadcast %add3A_65 : f32 to vector<256xf32>
    %add3A_67 = arith.addf %add3A_64, %add3A_66 : vector<256xf32>
    %div3A_68 = arith.constant 2.048000e-02 : f32
    %div3A_69 = vector.broadcast %div3A_68 : f32 to vector<256xf32>
    %div3A_70 = arith.divf %div3A_69, %add3A_67 : vector<256xf32>
    %log3A_71 = math.log %div3A_70 : vector<256xf32>
    %reduce_sum3A_72 = vector.shape_cast %log3A_71 : vector<256xf32> to vector<1x256xf32>
    %reduce_sum3A_73 = arith.constant dense<0.000000e+00> : vector<1xf32>
    %reduce_sum3A_74 = vector.multi_reduction <add>, %reduce_sum3A_72, %reduce_sum3A_73 [1] : vector<1x256xf32> to vector<1xf32>
    %reduce_sum3A_75 = vector.shape_cast %reduce_sum3A_74 : vector<1xf32> to vector<1x1xf32>
    %reduce_sum3A_76 = vector.extract %reduce_sum3A_75[0, 0] : f32 from vector<1x1xf32>
    %get3A_77 = arith.constant 0 : index
    %get3A_78 = arith.constant 0 : index
    %get3A_79 = vector.load %arg2[%get3A_77, %get3A_78] : memref<256x128xf32, #tpu.memory_space<vmem>>, vector<256x128xf32>
    %get3A_80 = arith.constant 0 : index
    %get3A_81 = arith.constant 0 : index
    %get3A_82 = vector.load %arg3[%get3A_80, %get3A_81] : memref<256x128xf32, #tpu.memory_space<vmem>>, vector<256x128xf32>
    %mul3A_83 = arith.mulf %get3A_79, %get3A_82 : vector<256x128xf32>
    %reduce_sum3A_84 = arith.constant dense<0.000000e+00> : vector<256xf32>
    %reduce_sum3A_85 = vector.multi_reduction <add>, %mul3A_83, %reduce_sum3A_84 [1] : vector<256x128xf32> to vector<256xf32>
    %mul3A_86 = arith.constant 14.2857141 : f32
    %mul3A_87 = vector.broadcast %mul3A_86 : f32 to vector<256xf32>
    %mul3A_88 = arith.mulf %reduce_sum3A_85, %mul3A_87 : vector<256xf32>
    %exp3A_89 = math.exp %mul3A_88 : vector<256xf32>
    %div3A_90 = vector.broadcast %mul3A_36 : f32 to vector<256xf32>
    %div3A_91 = arith.divf %exp3A_89, %div3A_90 : vector<256xf32>
    %add3A_92 = arith.constant 2.048000e-02 : f32
    %add3A_93 = vector.broadcast %add3A_92 : f32 to vector<256xf32>
    %add3A_94 = arith.addf %div3A_91, %add3A_93 : vector<256xf32>
    %add3A_95 = arith.constant 1.000000e-07 : f32
    %add3A_96 = vector.broadcast %add3A_95 : f32 to vector<256xf32>
    %add3A_97 = arith.addf %add3A_94, %add3A_96 : vector<256xf32>
    %div3A_98 = arith.divf %div3A_91, %add3A_97 : vector<256xf32>
    %log3A_99 = math.log %div3A_98 : vector<256xf32>
    %reduce_sum3A_100 = vector.shape_cast %log3A_99 : vector<256xf32> to vector<1x256xf32>
    %reduce_sum3A_101 = arith.constant dense<0.000000e+00> : vector<1xf32>
    %reduce_sum3A_102 = vector.multi_reduction <add>, %reduce_sum3A_100, %reduce_sum3A_101 [1] : vector<1x256xf32> to vector<1xf32>
    %reduce_sum3A_103 = vector.shape_cast %reduce_sum3A_102 : vector<1xf32> to vector<1x1xf32>
    %reduce_sum3A_104 = vector.extract %reduce_sum3A_103[0, 0] : f32 from vector<1x1xf32>
    %add3A_105 = arith.constant 2.048000e-02 : f32
    %add3A_106 = vector.broadcast %add3A_105 : f32 to vector<256xf32>
    %add3A_107 = arith.addf %div3A_91, %add3A_106 : vector<256xf32>
    %add3A_108 = arith.constant 1.000000e-07 : f32
    %add3A_109 = vector.broadcast %add3A_108 : f32 to vector<256xf32>
    %add3A_110 = arith.addf %add3A_107, %add3A_109 : vector<256xf32>
    %div3A_111 = arith.constant 2.048000e-02 : f32
    %div3A_112 = vector.broadcast %div3A_111 : f32 to vector<256xf32>
    %div3A_113 = arith.divf %div3A_112, %add3A_110 : vector<256xf32>
    %log3A_114 = math.log %div3A_113 : vector<256xf32>
    %reduce_sum3A_115 = vector.shape_cast %log3A_114 : vector<256xf32> to vector<1x256xf32>
    %reduce_sum3A_116 = arith.constant dense<0.000000e+00> : vector<1xf32>
    %reduce_sum3A_117 = vector.multi_reduction <add>, %reduce_sum3A_115, %reduce_sum3A_116 [1] : vector<1x256xf32> to vector<1xf32>
    %reduce_sum3A_118 = vector.shape_cast %reduce_sum3A_117 : vector<1xf32> to vector<1x1xf32>
    %reduce_sum3A_119 = vector.extract %reduce_sum3A_118[0, 0] : f32 from vector<1x1xf32>
    %div3A_120 = vector.broadcast %mul3A_26 : f32 to vector<4352x128xf32>
    %div3A_121 = arith.divf %exp3A, %div3A_120 : vector<4352x128xf32>
    %add3A_122 = arith.constant 2.048000e-02 : f32
    %add3A_123 = vector.broadcast %add3A_122 : f32 to vector<4352x128xf32>
    %add3A_124 = arith.addf %div3A_121, %add3A_123 : vector<4352x128xf32>
    %add3A_125 = arith.constant 1.000000e-07 : f32
    %add3A_126 = vector.broadcast %add3A_125 : f32 to vector<4352x128xf32>
    %add3A_127 = arith.addf %add3A_124, %add3A_126 : vector<4352x128xf32>
    %div3A_128 = arith.constant 2.048000e-02 : f32
    %div3A_129 = vector.broadcast %div3A_128 : f32 to vector<4352x128xf32>
    %div3A_130 = arith.divf %div3A_129, %add3A_127 : vector<4352x128xf32>
    %log3A_131 = math.log %div3A_130 : vector<4352x128xf32>
    %jit3A_132 = arith.constant 0.000000e+00 : f32
    %broadcast_in_dim3A_133 = vector.broadcast %jit3A_132 : f32 to vector<4352x128xf32>
    %select_n3A_134 = arith.select %lt3A_14, %log3A_131, %broadcast_in_dim3A_133 : vector<4352x128xi1>, vector<4352x128xf32>
    %reduce_sum3A_135 = vector.shape_cast %select_n3A_134 : vector<4352x128xf32> to vector<1x4352x128xf32>
    %reduce_sum3A_136 = arith.constant dense<0.000000e+00> : vector<1xf32>
    %reduce_sum3A_137 = vector.multi_reduction <add>, %reduce_sum3A_135, %reduce_sum3A_136 [1, 2] : vector<1x4352x128xf32> to vector<1xf32>
    %reduce_sum3A_138 = vector.shape_cast %reduce_sum3A_137 : vector<1xf32> to vector<1x1x1xf32>
    %reduce_sum3A_139 = vector.extract %reduce_sum3A_138[0, 0, 0] : f32 from vector<1x1x1xf32>
    %add3A_140 = arith.addf %reduce_sum3A_61, %reduce_sum3A_139 : f32
    %sub3A = arith.subf %add3A_140, %reduce_sum3A_76 : f32
    %neg3A = arith.constant 0.000000e+00 : f32
    %neg3A_141 = arith.subf %neg3A, %sub3A : f32
    %div3A_142 = arith.constant 2.560000e+02 : f32
    %div3A_143 = arith.divf %neg3A_141, %div3A_142 : f32
    %div3A_144 = vector.broadcast %mul3A_36 : f32 to vector<4352x128xf32>
    %div3A_145 = arith.divf %exp3A_20, %div3A_144 : vector<4352x128xf32>
    %add3A_146 = arith.constant 2.048000e-02 : f32
    %add3A_147 = vector.broadcast %add3A_146 : f32 to vector<4352x128xf32>
    %add3A_148 = arith.addf %div3A_145, %add3A_147 : vector<4352x128xf32>
    %add3A_149 = arith.constant 1.000000e-07 : f32
    %add3A_150 = vector.broadcast %add3A_149 : f32 to vector<4352x128xf32>
    %add3A_151 = arith.addf %add3A_148, %add3A_150 : vector<4352x128xf32>
    %div3A_152 = arith.constant 2.048000e-02 : f32
    %div3A_153 = vector.broadcast %div3A_152 : f32 to vector<4352x128xf32>
    %div3A_154 = arith.divf %div3A_153, %add3A_151 : vector<4352x128xf32>
    %log3A_155 = math.log %div3A_154 : vector<4352x128xf32>
    %jit3A_156 = arith.constant 0.000000e+00 : f32
    %broadcast_in_dim3A_157 = vector.broadcast %jit3A_156 : f32 to vector<4352x128xf32>
    %select_n3A_158 = arith.select %lt3A_14, %log3A_155, %broadcast_in_dim3A_157 : vector<4352x128xi1>, vector<4352x128xf32>
    %reduce_sum3A_159 = vector.shape_cast %select_n3A_158 : vector<4352x128xf32> to vector<1x4352x128xf32>
    %reduce_sum3A_160 = arith.constant dense<0.000000e+00> : vector<1xf32>
    %reduce_sum3A_161 = vector.multi_reduction <add>, %reduce_sum3A_159, %reduce_sum3A_160 [1, 2] : vector<1x4352x128xf32> to vector<1xf32>
    %reduce_sum3A_162 = vector.shape_cast %reduce_sum3A_161 : vector<1xf32> to vector<1x1x1xf32>
    %reduce_sum3A_163 = vector.extract %reduce_sum3A_162[0, 0, 0] : f32 from vector<1x1x1xf32>
    %add3A_164 = arith.addf %reduce_sum3A_104, %reduce_sum3A_163 : f32
    %sub3A_165 = arith.subf %add3A_164, %reduce_sum3A_119 : f32
    %neg3A_166 = arith.constant 0.000000e+00 : f32
    %neg3A_167 = arith.subf %neg3A_166, %sub3A_165 : f32
    %div3A_168 = arith.constant 2.560000e+02 : f32
    %div3A_169 = arith.divf %neg3A_167, %div3A_168 : f32
    %add3A_170 = arith.addf %div3A_143, %div3A_169 : f32
    %swap3A = arith.constant 0 : index
    %swap3A_171 = arith.constant 0 : index
    %swap3A_172 = memref.load %arg5[%swap3A, %swap3A_171] : memref<1x1xf32, #tpu.memory_space<smem>>
    memref.store %add3A_170, %arg5[%swap3A, %swap3A_171] : memref<1x1xf32, #tpu.memory_space<smem>>
    %get3A_173 = arith.constant 0 : index
    %get3A_174 = arith.constant 0 : index
    %get3A_175 = vector.load %arg1[%get3A_173, %get3A_174] : memref<256x128xf32, #tpu.memory_space<vmem>>, vector<256x128xf32>
    %get3A_176 = arith.constant 0 : index
    %get3A_177 = arith.constant 0 : index
    %get3A_178 = vector.load %arg3[%get3A_176, %get3A_177] : memref<256x128xf32, #tpu.memory_space<vmem>>, vector<256x128xf32>
    %mul3A_179 = arith.constant 5.000000e-01 : f32
    %mul3A_180 = vector.broadcast %mul3A_179 : f32 to vector<256x128xf32>
    %mul3A_181 = arith.mulf %get3A_175, %mul3A_180 : vector<256x128xf32>
    %mul3A_182 = arith.constant 5.000000e-01 : f32
    %mul3A_183 = vector.broadcast %mul3A_182 : f32 to vector<256x128xf32>
    %mul3A_184 = arith.mulf %get3A_178, %mul3A_183 : vector<256x128xf32>
    %add3A_185 = arith.addf %mul3A_181, %mul3A_184 : vector<256x128xf32>
    %mul3A_186 = arith.mulf %add3A_185, %add3A_185 : vector<256x128xf32>
    %reduce_sum3A_187 = arith.constant dense<0.000000e+00> : vector<256xf32>
    %reduce_sum3A_188 = vector.multi_reduction <add>, %mul3A_186, %reduce_sum3A_187 [1] : vector<256x128xf32> to vector<256xf32>
    %broadcast_in_dim3A_189 = vector.shape_cast %reduce_sum3A_188 : vector<256xf32> to vector<256x1xf32>
    %sqrt3A = math.sqrt %broadcast_in_dim3A_189 : vector<256x1xf32>
    %div3A_190 = vector.broadcast %sqrt3A : vector<256x1xf32> to vector<256x128xf32>
    %div3A_191 = arith.divf %add3A_185, %div3A_190 : vector<256x128xf32>
    %swap3A_192 = arith.constant 0 : index
    %swap3A_193 = arith.constant 0 : index
    %swap3A_194 = vector.load %arg6[%swap3A_192, %swap3A_193] : memref<256x128xf32, #tpu.memory_space<vmem>>, vector<256x128xf32>
    tpu.vector_store %arg6[%swap3A_192, %swap3A_193], %div3A_191 {strides = array<i32>} : memref<256x128xf32, #tpu.memory_space<vmem>>, vector<256x128xf32>,
    %get3A_195 = arith.constant 0 : index
    %get3A_196 = arith.constant 0 : index
    %get3A_197 = vector.load %arg2[%get3A_195, %get3A_196] : memref<256x128xf32, #tpu.memory_space<vmem>>, vector<256x128xf32>
    %get3A_198 = arith.constant 0 : index
    %get3A_199 = arith.constant 0 : index
    %get3A_200 = vector.load %arg4[%get3A_198, %get3A_199] : memref<256x128xf32, #tpu.memory_space<vmem>>, vector<256x128xf32>
    %mul3A_201 = arith.constant 5.000000e-01 : f32
    %mul3A_202 = vector.broadcast %mul3A_201 : f32 to vector<256x128xf32>
    %mul3A_203 = arith.mulf %get3A_197, %mul3A_202 : vector<256x128xf32>
    %mul3A_204 = arith.constant 5.000000e-01 : f32
    %mul3A_205 = vector.broadcast %mul3A_204 : f32 to vector<256x128xf32>
    %mul3A_206 = arith.mulf %get3A_200, %mul3A_205 : vector<256x128xf32>
    %add3A_207 = arith.addf %mul3A_203, %mul3A_206 : vector<256x128xf32>
    %mul3A_208 = arith.mulf %add3A_207, %add3A_207 : vector<256x128xf32>
    %reduce_sum3A_209 = arith.constant dense<0.000000e+00> : vector<256xf32>
    %reduce_sum3A_210 = vector.multi_reduction <add>, %mul3A_208, %reduce_sum3A_209 [1] : vector<256x128xf32> to vector<256xf32>
    %broadcast_in_dim3A_211 = vector.shape_cast %reduce_sum3A_210 : vector<256xf32> to vector<256x1xf32>
    %sqrt3A_212 = math.sqrt %broadcast_in_dim3A_211 : vector<256x1xf32>
    %div3A_213 = vector.broadcast %sqrt3A_212 : vector<256x1xf32> to vector<256x128xf32>
    %div3A_214 = arith.divf %add3A_207, %div3A_213 : vector<256x128xf32>
    %swap3A_215 = arith.constant 0 : index
    %swap3A_216 = arith.constant 0 : index
    %swap3A_217 = vector.load %arg7[%swap3A_215, %swap3A_216] : memref<256x128xf32, #tpu.memory_space<vmem>>, vector<256x128xf32>
    tpu.vector_store %arg7[%swap3A_215, %swap3A_216], %div3A_214 {strides = array<i32>} : memref<256x128xf32, #tpu.memory_space<vmem>>, vector<256x128xf32>,
    return
  }
}

module attributes {stable_mosaic.version = 14 : i64} {
  func.func @_scatter_body(%arg0: memref<256xi32, #tpu.memory_space<smem>>, %arg1: memref<256xi32, #tpu.memory_space<smem>>, %arg2: memref<256x128xf32, #tpu.memory_space<vmem>>, %arg3: memref<256x128xf32, #tpu.memory_space<vmem>>, %arg4: memref<100000x128xf32, #tpu.memory_space<any>>, %arg5: memref<100000x128xf32, #tpu.memory_space<any>>, %arg6: memref<100000x128xf32, #tpu.memory_space<any>>, %arg7: memref<100000x128xf32, #tpu.memory_space<any>>, %arg8: memref<!tpu.dma_semaphore, #tpu.memory_space<semaphore_mem>>, %arg9: memref<!tpu.dma_semaphore, #tpu.memory_space<semaphore_mem>>) attributes {dimension_semantics = [], scalar_prefetch = 0 : i64, scratch_operands = 2 : i64, tpu.core_type = #tpu.core_type<tc>} {
    %scan3A = arith.constant 0 : i32
    %scan3A_0 = arith.constant 256 : i32
    %scan3A_1 = arith.addi %scan3A, %scan3A_0 : i32
    %scan3A_2 = arith.constant 1 : i32
    scf.for %scan3A_9 = %scan3A to %scan3A_1 step %scan3A_2  : i32 {
      %get3A = arith.index_cast %scan3A_9 : i32 to index
      %get3A_10 = memref.load %arg0[%get3A] : memref<256xi32, #tpu.memory_space<smem>>
      %get3A_11 = arith.index_cast %scan3A_9 : i32 to index
      %get3A_12 = memref.load %arg1[%get3A_11] : memref<256xi32, #tpu.memory_space<smem>>
      %eq3A = arith.constant 1 : i32
      %eq3A_13 = arith.cmpi eq, %get3A_12, %eq3A : i32
      %convert_element_type3A = arith.extui %eq3A_13 : i1 to i32
      %cond3A = arith.constant 0 : i32
      %cond3A_14 = arith.cmpi ne, %convert_element_type3A, %cond3A : i32
      scf.if %cond3A_14 {
        %dma_start3A = arith.constant 0 : i32
        %dma_start3A_19 = tpu.memref_slice %arg6[%get3A_10, %dma_start3A] : memref<100000x128xf32, #tpu.memory_space<any>> -> memref<1x128xf32, #tpu.memory_space<any>>
        %dma_start3A_20 = arith.constant 0 : i32
        %dma_start3A_21 = tpu.memref_slice %arg2[%scan3A_9, %dma_start3A_20] : memref<256x128xf32, #tpu.memory_space<vmem>> -> memref<1x128xf32, #tpu.memory_space<vmem>>
        tpu.enqueue_dma source(%dma_start3A_21 : memref<1x128xf32, #tpu.memory_space<vmem>>) target(%dma_start3A_19 : memref<1x128xf32, #tpu.memory_space<any>>) target_semaphore(%arg8 : memref<!tpu.dma_semaphore, #tpu.memory_space<semaphore_mem>>)
        %dma_start3A_22 = arith.constant 0 : i32
        %dma_start3A_23 = tpu.memref_slice %arg7[%get3A_10, %dma_start3A_22] : memref<100000x128xf32, #tpu.memory_space<any>> -> memref<1x128xf32, #tpu.memory_space<any>>
        %dma_start3A_24 = arith.constant 0 : i32
        %dma_start3A_25 = tpu.memref_slice %arg3[%scan3A_9, %dma_start3A_24] : memref<256x128xf32, #tpu.memory_space<vmem>> -> memref<1x128xf32, #tpu.memory_space<vmem>>
        tpu.enqueue_dma source(%dma_start3A_25 : memref<1x128xf32, #tpu.memory_space<vmem>>) target(%dma_start3A_23 : memref<1x128xf32, #tpu.memory_space<any>>) target_semaphore(%arg9 : memref<!tpu.dma_semaphore, #tpu.memory_space<semaphore_mem>>)
      } else {
      }
      %ge3A = arith.constant 16 : i32
      %ge3A_15 = arith.cmpi sge, %scan3A_9, %ge3A : i32
      %convert_element_type3A_16 = arith.extui %ge3A_15 : i1 to i32
      %cond3A_17 = arith.constant 0 : i32
      %cond3A_18 = arith.cmpi ne, %convert_element_type3A_16, %cond3A_17 : i32
      scf.if %cond3A_18 {
        %sub3A = arith.constant 16 : i32
        %sub3A_19 = arith.subi %scan3A_9, %sub3A : i32
        %get3A_20 = arith.index_cast %sub3A_19 : i32 to index
        %get3A_21 = memref.load %arg0[%get3A_20] : memref<256xi32, #tpu.memory_space<smem>>
        %get3A_22 = arith.index_cast %sub3A_19 : i32 to index
        %get3A_23 = memref.load %arg1[%get3A_22] : memref<256xi32, #tpu.memory_space<smem>>
        %eq3A_24 = arith.constant 1 : i32
        %eq3A_25 = arith.cmpi eq, %get3A_23, %eq3A_24 : i32
        %convert_element_type3A_26 = arith.extui %eq3A_25 : i1 to i32
        %cond3A_27 = arith.constant 0 : i32
        %cond3A_28 = arith.cmpi ne, %convert_element_type3A_26, %cond3A_27 : i32
        scf.if %cond3A_28 {
          %dma_wait3A = arith.constant 0 : i32
          %dma_wait3A_29 = tpu.memref_slice %arg6[%get3A_21, %dma_wait3A] : memref<100000x128xf32, #tpu.memory_space<any>> -> memref<1x128xf32, #tpu.memory_space<any>>
          %dma_wait3A_30 = arith.constant 0 : i32
          %dma_wait3A_31 = tpu.memref_slice %arg2[%sub3A_19, %dma_wait3A_30] : memref<256x128xf32, #tpu.memory_space<vmem>> -> memref<1x128xf32, #tpu.memory_space<vmem>>
          tpu.wait_dma2 semaphore(%arg8 : memref<!tpu.dma_semaphore, #tpu.memory_space<semaphore_mem>>) src(%dma_wait3A_31 : memref<1x128xf32, #tpu.memory_space<vmem>>) dst(%dma_wait3A_29 : memref<1x128xf32, #tpu.memory_space<any>>)
          %dma_wait3A_32 = arith.constant 0 : i32
          %dma_wait3A_33 = tpu.memref_slice %arg7[%get3A_21, %dma_wait3A_32] : memref<100000x128xf32, #tpu.memory_space<any>> -> memref<1x128xf32, #tpu.memory_space<any>>
          %dma_wait3A_34 = arith.constant 0 : i32
          %dma_wait3A_35 = tpu.memref_slice %arg3[%sub3A_19, %dma_wait3A_34] : memref<256x128xf32, #tpu.memory_space<vmem>> -> memref<1x128xf32, #tpu.memory_space<vmem>>
          tpu.wait_dma2 semaphore(%arg9 : memref<!tpu.dma_semaphore, #tpu.memory_space<semaphore_mem>>) src(%dma_wait3A_35 : memref<1x128xf32, #tpu.memory_space<vmem>>) dst(%dma_wait3A_33 : memref<1x128xf32, #tpu.memory_space<any>>)
        } else {
        }
      } else {
      }
    }
    %scan3A_3 = arith.constant 256 : i32
    %scan3A_4 = arith.constant 240 : i32
    %scan3A_5 = arith.constant 16 : i32
    %scan3A_6 = arith.addi %scan3A_4, %scan3A_5 : i32
    %scan3A_7 = arith.constant 1 : i32
    scf.for %scan3A_9 = %scan3A_4 to %scan3A_6 step %scan3A_7  : i32 {
      %get3A = arith.index_cast %scan3A_9 : i32 to index
      %get3A_10 = memref.load %arg0[%get3A] : memref<256xi32, #tpu.memory_space<smem>>
      %get3A_11 = arith.index_cast %scan3A_9 : i32 to index
      %get3A_12 = memref.load %arg1[%get3A_11] : memref<256xi32, #tpu.memory_space<smem>>
      %eq3A = arith.constant 1 : i32
      %eq3A_13 = arith.cmpi eq, %get3A_12, %eq3A : i32
      %convert_element_type3A = arith.extui %eq3A_13 : i1 to i32
      %cond3A = arith.constant 0 : i32
      %cond3A_14 = arith.cmpi ne, %convert_element_type3A, %cond3A : i32
      scf.if %cond3A_14 {
        %dma_wait3A = arith.constant 0 : i32
        %dma_wait3A_15 = tpu.memref_slice %arg6[%get3A_10, %dma_wait3A] : memref<100000x128xf32, #tpu.memory_space<any>> -> memref<1x128xf32, #tpu.memory_space<any>>
        %dma_wait3A_16 = arith.constant 0 : i32
        %dma_wait3A_17 = tpu.memref_slice %arg2[%scan3A_9, %dma_wait3A_16] : memref<256x128xf32, #tpu.memory_space<vmem>> -> memref<1x128xf32, #tpu.memory_space<vmem>>
        tpu.wait_dma2 semaphore(%arg8 : memref<!tpu.dma_semaphore, #tpu.memory_space<semaphore_mem>>) src(%dma_wait3A_17 : memref<1x128xf32, #tpu.memory_space<vmem>>) dst(%dma_wait3A_15 : memref<1x128xf32, #tpu.memory_space<any>>)
        %dma_wait3A_18 = arith.constant 0 : i32
        %dma_wait3A_19 = tpu.memref_slice %arg7[%get3A_10, %dma_wait3A_18] : memref<100000x128xf32, #tpu.memory_space<any>> -> memref<1x128xf32, #tpu.memory_space<any>>
        %dma_wait3A_20 = arith.constant 0 : i32
        %dma_wait3A_21 = tpu.memref_slice %arg3[%scan3A_9, %dma_wait3A_20] : memref<256x128xf32, #tpu.memory_space<vmem>> -> memref<1x128xf32, #tpu.memory_space<vmem>>
        tpu.wait_dma2 semaphore(%arg9 : memref<!tpu.dma_semaphore, #tpu.memory_space<semaphore_mem>>) src(%dma_wait3A_21 : memref<1x128xf32, #tpu.memory_space<vmem>>) dst(%dma_wait3A_19 : memref<1x128xf32, #tpu.memory_space<any>>)
      } else {
      }
    }
    %scan3A_8 = arith.constant 16 : i32
    return
  }
}

</mosaic_0001>

<sc_bundles>
// kernel: kernel.6.cloned.1.call-start
scs
__scs_entry_jumppad:
0x0: {  	(pc) =	sbr.rel $0x88, $3  }
0x1: {  	(tag) =	ssettag $0x0;
	lr =	simm.s32 $0x1  }
0x2: {  	[smem:$0x3F9B] =	sst lr;
	_ =	strace $0xD0000000  }
0x3: {  	_ = 	snop  }
0x4: {  	_ = 	snop  }
0x5: {  	_ = 	snop  }
0x6: {  	_ = 	snop  }
0x7: {  	_ = 	snop  }
__scs_overlays_trampoline_lowered:
0x8: {  	[smem:$0x3FAA] =	sst s0  }
0x9: {  	[smem:$0x3FAB] =	sst s1  }
0xa: {  	[smem:$0x3FAC] =	sst s2  }
0xb: {  	[smem:$0x3FAD] =	sst s3  }
0xc: {  	[smem:$0x3FAE] =	sst s4  }
0xd: {  	[smem:$0x3FAF] =	sst s5  }
0xe: {  	[smem:$0x3FB0] =	sst s6  }
0xf: {  	[smem:$0x3FB1] =	sst s7  }
0x10: {  	[smem:$0x3FB2] =	sst s8  }
0x11: {  	[smem:$0x3FB3] =	sst s9;
	s0 =	simm.s32 @!p0 $0x0  }
0x12: {  	s1 =	sld [smem:$0x3F99];
	s0 =	simm.s32 @p0 $0x1  }
0x13: {  	[smem:$0x3FB4] =	sst s0;
	s0 =	simm.s32 @!p1 $0x0  }
0x14: {  	s2 =	sld [smem:$0x3F98];
	s0 =	simm.s32 @p1 $0x1  }
0x15: {  	[smem:$0x3FB5] =	sst s0;
	s0 =	simm.s32 @!p2 $0x0  }
0x16: {  	s3 =	sld [smem:$0x3FDB];
	s0 =	simm.s32 @p2 $0x1  }
0x17: {  	s4 =	simm.s32 $0x1BF5;
	[smem:$0x3FB7] =	sst s0  }
0x18: {  	s0 =	sld [smem:$0x3F9A];
	_ =	swait.ge [sflag:s4], $0x0  }
0x19: {  	s7 =	sld [smem:$0x3F9B]  }
0x1a: {  	s8 =	sadd.s32 $0xFFFFE003, lr  }
0x1b: {  	s9 =	sadd.s32 $0xFFFFFEF7, lr;
	s5 =	simm.s32 $0xFFFFFFFF;
	p2 =	slt.u32 s8, $0xFFFFF086  }
0x1c: {  	p1 =	slt.u32 s9, $0xF7A;
	s5 =	simm.s32 @!p2 $0x0  }
0x1d: {  	s5 =	simm.s32 @p1 $0x1;
	p0 =	seq.s32 s7, s2  }
0x1e: {  	s7 =	smul.u32 @!p0 $0xF7A, s2;
	p2 =	seq.s32 @!p0 s5, $0x0  }
0x1f: {  	s9 =	smul.u32 $0xF7A, s1;
	s8 =	simm.s32 @!p0 $0x1BF5;
	p2 =	por !p2, p0  }
0x20: {  	[sflag:s8] =	ssyncset.s32 @!p0 $0xFFFFF086;
	s6 =	sadd.s32 @!p0 s3, s7;
	s7 =	simm.s32 @!p0 $0x108  }
0x21: {  	s3 =	sadd.s32 s3, s9;
	s6 =	sadd.s32 @!p0 $0x88, s6;
	s7 =	simm.s32 @p2 $0x1082  }
0x22: {  	[simem:s7], [sflag:s8] =	dma.local @!p0 [hbm:s6], $0xF7A  }
0x23: {  	s9 =	sor.u32 $0xD0000000, s2;
	s6 =	simm.s32 $0x108;
	_ =	swait.ge @!p0 [sflag:s8], $0x0  }
0x24: {  	s3 =	sadd.s32 $0x88, s3;
	s6 =	simm.s32 @!p1 $0x1082;
	[sflag:s4] =	ssyncset.s32 $0xFFFFF086  }
0x25: {  	[simem:s6], [sflag:s4] =	dma.local [hbm:s3], $0xF7A  }
0x26: {  	[smem:$0x3F9B] =	sst s1;
	(tag) =	ssettag s2;
	_ =	strace s9  }
0x27: {  	s1 =	sld [smem:$0x3FAB]  }
0x28: {  	s2 =	sld [smem:$0x3FAC]  }
0x29: {  	s4 =	sld [smem:$0x3FAE]  }
0x2a: {  	p0 =	seq.s32 s5, $0x0;
	s5 =	sld [smem:$0x3FAF]  }
0x2b: {  	s6 =	sld [smem:$0x3FB0]  }
0x2c: {  	s7 =	sld [smem:$0x3FB1]  }
0x2d: {  	s3 =	simm.s32 $0x108;
	s8 =	sld [smem:$0x3FB2]  }
0x2e: {  	s3 =	simm.s32 @!p0 $0x1082;
	s9 =	sld [smem:$0x3FB3]  }
0x2f: {  	lr =	sadd.s32 s0, s3;
	s0 =	sld [smem:$0x3FAA]  }
0x30: {  	s3 =	sld [smem:$0x3FAD]  }
0x31: {  	[smem:$0x3FB6] =	sst s10  }
0x32: {  	s10 =	sld [smem:$0x3FB4];
	_ =	sdelay $0x3  }
0x33: {  	p0 =	seq.s32 s10, $0x1;
	s10 =	sld [smem:$0x3FB6];
	_ =	sdelay $0x3  }
0x34: {  	[smem:$0x3FB6] =	sst s10  }
0x35: {  	s10 =	sld [smem:$0x3FB5];
	_ =	sdelay $0x3  }
0x36: {  	p1 =	seq.s32 s10, $0x1;
	s10 =	sld [smem:$0x3FB6];
	_ =	sdelay $0x3  }
0x37: {  	[smem:$0x3FB6] =	sst s10  }
0x38: {  	s10 =	sld [smem:$0x3FB7]  }
0x39: {  	_ = 	snop;
	(pc) =	sbr.ind lr, $3  }
0x3a: {  	_ = 	snop  }
0x3b: {  	_ = 	snop  }
0x3c: {  	p2 =	seq.s32 s10, $0x1;
	s10 =	sld [smem:$0x3FB6]  }
0x3d: {  	_ =	shalt  }
0x3e: {  	_ =	shalt  }
0x3f: {  	_ =	shalt  }
0x40: {  	_ =	shalt  }
0x41: {  	_ =	shalt  }
0x42: {  	_ =	shalt  }
0x43: {  	_ =	shalt  }
0x44: {  	_ =	shalt  }
0x45: {  	_ =	shalt  }
0x46: {  	_ =	shalt  }
0x47: {  	_ =	shalt  }
0x48: {  	_ =	shalt  }
0x49: {  	_ =	shalt  }
0x4a: {  	_ =	shalt  }
0x4b: {  	_ =	shalt  }
0x4c: {  	_ =	shalt  }
0x4d: {  	_ =	shalt  }
0x4e: {  	_ =	shalt  }
0x4f: {  	_ =	shalt  }
0x50: {  	_ =	shalt  }
0x51: {  	_ =	shalt  }
0x52: {  	_ =	shalt  }
0x53: {  	_ =	shalt  }
0x54: {  	_ =	shalt  }
0x55: {  	_ =	shalt  }
0x56: {  	_ =	shalt  }
0x57: {  	_ =	shalt  }
0x58: {  	_ =	shalt  }
0x59: {  	_ =	shalt  }
0x5a: {  	_ =	shalt  }
0x5b: {  	_ =	shalt  }
0x5c: {  	_ =	shalt  }
0x5d: {  	_ =	shalt  }
0x5e: {  	_ =	shalt  }
0x5f: {  	_ =	shalt  }
0x60: {  	_ =	shalt  }
0x61: {  	_ =	shalt  }
0x62: {  	_ =	shalt  }
0x63: {  	_ =	shalt  }
0x64: {  	_ =	shalt  }
0x65: {  	_ =	shalt  }
0x66: {  	_ =	shalt  }
0x67: {  	_ =	shalt  }
0x68: {  	_ =	shalt  }
0x69: {  	_ =	shalt  }
0x6a: {  	_ =	shalt  }
0x6b: {  	_ =	shalt  }
0x6c: {  	_ =	shalt  }
0x6d: {  	_ =	shalt  }
0x6e: {  	_ =	shalt  }
0x6f: {  	_ =	shalt  }
0x70: {  	_ =	shalt  }
0x71: {  	_ =	shalt  }
0x72: {  	_ =	shalt  }
0x73: {  	_ =	shalt  }
0x74: {  	_ =	shalt  }
0x75: {  	_ =	shalt  }
0x76: {  	_ =	shalt  }
0x77: {  	_ =	shalt  }
0x78: {  	_ =	shalt  }
0x79: {  	_ =	shalt  }
0x7a: {  	_ =	shalt  }
0x7b: {  	_ =	shalt  }
0x7c: {  	_ =	shalt  }
0x7d: {  	_ =	shalt  }
0x7e: {  	_ =	shalt  }
0x7f: {  	_ =	shalt  }
0x80: {  	_ =	shalt  }
0x81: {  	_ =	shalt  }
0x82: {  	_ =	shalt  }
0x83: {  	_ =	shalt  }
0x84: {  	_ =	shalt  }
0x85: {  	_ =	shalt  }
0x86: {  	_ =	shalt  }
0x87: {  	_ =	shalt  }
.Lfunc_end0:
.L_simem_size_0:
called_computation_lowered:
.L_overlay_start_0:
0x88: {  	s2 =	sld [smem:$0x3FD9]  }
0x89: {  	s3 =	sld [smem:$0x3FFE];
	_ =	sdelay $0x1  }
0x8a: {  	s1 =	srdreg.scid  }
0x8b: {  	s0 =	sand.u32 $0x1, s1  }
0x8c: {  	s17 =	sshll.u32 s0, $0xA;
	s2 =	sadd.s32 s3, s2  }
0x8d: {  	s2 =	sadd.s32 s2, s17  }
0x8e: {  	[smem:$0x3FC2] =	sst s2  }
0x8f: {  	_ = 	snop  }
0x90: {  	s2 =	sld [smem:$0x3FC5]  }
0x91: {  	s18 =	sld [smem:$0x3FC4];
	(tm) =	ssettm $0x1  }
0x92: {  	s4 =	sld [smem:$0x3FFB];
	_ =	sdelay $0x3  }
0x93: {  	_ =	strace s4  }
0x94: {  	s4 =	sld [smem:$0x3FFC];
	_ =	sdelay $0x3  }
0x95: {  	_ =	strace s4  }
0x96: {  	s4 =	sld [smem:$0x3FFD];
	_ =	sdelay $0x3  }
0x97: {  	_ =	strace s4  }
0x98: {  	_ =	strace $0x8FFFFFFF  }
0x99: {  	s19 =	sld [smem:$0x3FDB];
	_ =	sdelay $0x1  }
0x9a: {  	s5 =	simm.s32 $_scs_section_size  }
0x9b: {  	s6 =	simm.s32 $_size__tile_overlayer_lowered;
	s7 =	simm.s32 $_tile_overlayer_lowered  }
0x9c: {  	s22 =	simm.s32 $0x1BFF;
	s21 =	sshll.u32 s7, $0x1;
	s4 =	sadd.s32 s5, s19  }
0x9d: {  	s8 =	simm.s32 $0x0;
	s20 =	sshll.u32 s6, $0x1;
	s6 =	sadd.s32 s21, s4  }
0x9e: {  	[timem:s8], [sflag:s22] =	dma.local [hbm:s6], s20  }
0x9f: {  	_ =	swait.ge [sflag:s22], s20  }
0xa0: {  	s5 =	ssub.s32 $0x0, s20;
	[sflag:s22] =	ssyncset.done $0x0  }
0xa1: {  	[sflag:s22] =	ssyncadd.s32 s5;
	_ =	sdelay $0x1  }
0xa2: {  	s23 =	simm.s32 $0x1B8B  }
0xa3: {  	_ =	swait.ge [sflag:s23], $0x1  }
0xa4: {  	[sflag:s23] =	ssyncset.done $0x0  }
0xa5: {  	s25 =	simm.s32 $0x1B8E;
	s24 =	sld [smem:$0x3FFE];
	[sflag:s23] =	ssyncadd.s32 $0xFFFFFFFF  }
0xa6: {  	s26 =	simm.s32 $execute0_lowered;
	[smem:$0x3FD2] =	sst s25  }
0xa7: {  	s6 =	sshll.u32 s26, $0x1;
	_ =	strace $0x80000046;
	[dreg:$0x1] =	wrdreg $0xFFFFFFFF  }
0xa8: {  	s28 =	simm.s32 $_size_execute0_lowered;
	s4 =	sadd.s32 s4, s6;
	[dreg:$0x0] =	wrdreg $0x0  }
0xa9: {  	s6 =	sshll.u32 s28, $0x1;
	[dreg:$0x2] =	wrdreg s4  }
0xaa: {  	[dreg:$0x3] =	wrdreg s6  }
0xab: {  	[dreg:$0x4] =	wrdreg $0xC0  }
0xac: {  	_ =	task [dreg:s8], $0x5FFFF  }
0xad: {  	[dreg:$0x1] =	wrdreg $0xFFFFFFFF  }
0xae: {  	[dreg:$0x0] =	wrdreg $0x60  }
0xaf: {  	[dreg:$0x2] =	wrdreg s24  }
0xb0: {  	[dreg:$0x3] =	wrdreg s2  }
0xb1: {  	[dreg:$0x4] =	wrdreg s18  }
0xb2: {  	[dreg:$0x5] =	wrdreg $0x9  }
0xb3: {  	_ =	task.clear_ibuf [dreg:s8], $0x6FFFF;
	_ =	strace $0x90000046  }
0xb4: {  	s29 =	simm.s32 $0x9;
	_ =	strace $0x80000048  }
0xb5: {  	_ =	swait.ge [sflag:s29], $0x1  }
0xb6: {  	[sflag:s29] =	ssyncadd.s32 $0xFFFFFFFF  }
0xb7: {  	_ =	strace $0x90000048  }
0xb8: {  	_ =	sfence  }
0xb9: {  	s30 =	sld [smem:$0x0];
	_ =	sdelay $0x2  }
0xba: {  	s31 =	sshll.u32 s1, $0xD;
	s1 =	sshrl.u32 s1, $0x2  }
0xbb: {  	s3 =	sand.u32 $0x4000, s31;
	s1 =	sadd.s32 s1, s30  }
0xbc: {  	s0 =	sor.u32 s3, s0;
	s1 =	sshll.u32 s1, $0x11  }
0xbd: {  	s0 =	sor.u32 s1, s0  }
0xbe: {  	s0 =	sadd.s32 $0x8F2B, s0  }
0xbf: {  	[sflag:s0] =	ssyncadd.remote.s32 $0x1  }
0xc0: {  	_ =	sfence.sel $0xFFFF  }
0xc1: {  	[dreg:$0x0] =	wrdreg $0xFFFFFFFF;
	(pc) =	sbr.abs _section_cstart, $3  }
0xc2: {  	[dreg:$0x1] =	wrdreg $0xFFFFFFFF  }
0xc3: {  	_ =	task.clear_ibuf [dreg:s8], $0x2FFFF;
	_ =	strace $0x9FFFFFFF  }
0xc4: {  	(tm) =	ssettm $0x7FFFFFFF  }
0xc5: {  	_ =	shalt  }
tec
execute0_lowered:
.L_overlay_start_1:
0x0: {  	(tag) =	ssettag $0x1  }
0x1: {  	s0 =	rddreg [dreg:$0x0];
	s4 =	simm.s32 $0x0;
	s1 =	srdreg.scid  }
0x2: {  	s2 =	stileid.u32;
	s12 =	simm.s32 $0x3;
	s13 =	simm.s32 $0x8800  }
0x3: {  	s14 =	simm.s32 $0x80;
	s15 =	simm.s32 $0x4400;
	s16 =	simm.s32 $0x580  }
0x4: {  	s17 =	simm.s32 $0x4980;
	s18 =	simm.s32 $0x600;
	s19 =	simm.s32 $0x4A00  }
0x5: {  	s20 =	simm.s32 $0x680;
	s21 =	simm.s32 $0x4A80;
	s22 =	simm.s32 $0x700  }
0x6: {  	s23 =	simm.s32 $0x4B00;
	s24 =	simm.s32 $0x780;
	s25 =	simm.s32 $0x4B80  }
0x7: {  	s26 =	simm.s32 $0x8;
	s28 =	simm.s32 $0x8880;
	s29 =	simm.s32 $0x2  }
0x8: {  	s30 =	simm.s32 $0x8C80;
	s31 =	simm.s32 $0x1;
	[smem:$0x7FF] =	sst s4  }
0x9: {  	s1 =	sand.u32 $0x1, s1;
	s2 =	sshll.u32 s2, $0x1;
	s5 =	sadd.s32 $0x13200, s0  }
0xa: {  	_ =	strace $0x80000047;
	s2 =	sor.u32 s1, s2;
	s1 =	ssub.s32 $0x2, s1  }
0xb: {  	s3 =	sshll.u32 s2, $0x4;
	s6 =	smul.u32 $0x880, s2;
	s7 =	sshrl.u32 s1, $0x1  }
0xc: {  	s2 =	sshll.u32 s2, $0x7;
	s3 =	sadd.s32 s3, s0;
	s1 =	ssub.s32 s1, s7  }
0xd: {  	s10 =	sadd.s32 s6, s0;
	s0 =	sadd.s32 s2, s0;
	s7 =	sadd.s32 $0x2000, s3  }
0xe: {  	s11 =	smax.u32 s1, $0x1;
	s6 =	sadd.s32 $0x2200, s10;
	s8 =	sadd.s32 $0x331600, s0  }
0xf: {  	s9 =	sadd.s32 $0x332600, s0;
	s10 =	sadd.s32 $0x320600, s10;
	s0 =	simm.s32 $0x0  }
.LBB2_1:
0x10: {  	[tilespmem:s4], [sflag:$0x3] =	stream.linear.gather [hbm4b:s6+s4], $0x4400, $0x38;
	[tilespmem:$0x9080] =	vst v63  }
0x11: {  	_ =	swait.ge [sflag:s12], $0x4400  }
0x12: {  	[sflag:s12] =	ssyncset.done $0x0  }
0x13: {  	[sflag:s12] =	ssyncadd.s32 $0xFFFFBC00  }
0x14: {  	[tilespmem:s13], [sflag:$0x3] =	stream.linear.gather [hbm4b:s7+s4], $0x80, $0x38;
	[tilespmem:$0x9080] =	vst v63  }
0x15: {  	_ =	swait.ge [sflag:s12], $0x80  }
0x16: {  	[sflag:s12] =	ssyncset.done $0x0  }
0x17: {  	[sflag:s12] =	ssyncadd.s32 $0xFFFFFF80  }
0x18: {  	[tilespmem:s15], [sflag:$0x1] =	stream.indirect.gather [hbm4b:s5+s14], $0x1, s4, s14, $0xb8;
	[tilespmem:$0x9080] =	vst v63  }
0x19: {  	s1 =	simm.s32 $0x4480  }
0x1a: {  	[tilespmem:s1], [sflag:$0x1] =	stream.indirect.gather [hbm4b:s5+s14], $0x1, s14, s14, $0xb8;
	[tilespmem:$0x9080] =	vst v63  }
0x1b: {  	s3 =	simm.s32 $0x100;
	s2 =	simm.s32 $0x4500  }
0x1c: {  	[tilespmem:s2], [sflag:$0x1] =	stream.indirect.gather [hbm4b:s5+s14], $0x1, s3, s14, $0xb8;
	[tilespmem:$0x9080] =	vst v63  }
0x1d: {  	s2 =	simm.s32 $0x180;
	s3 =	simm.s32 $0x4580  }
0x1e: {  	[tilespmem:s3], [sflag:$0x1] =	stream.indirect.gather [hbm4b:s5+s14], $0x1, s2, s14, $0xb8;
	[tilespmem:$0x9080] =	vst v63  }
0x1f: {  	s2 =	simm.s32 $0x200;
	s3 =	simm.s32 $0x4600  }
0x20: {  	[tilespmem:s3], [sflag:$0x1] =	stream.indirect.gather [hbm4b:s5+s14], $0x1, s2, s14, $0xb8;
	[tilespmem:$0x9080] =	vst v63  }
0x21: {  	s2 =	simm.s32 $0x280;
	s3 =	simm.s32 $0x4680  }
0x22: {  	[tilespmem:s3], [sflag:$0x1] =	stream.indirect.gather [hbm4b:s5+s14], $0x1, s2, s14, $0xb8;
	[tilespmem:$0x9080] =	vst v63  }
0x23: {  	s2 =	simm.s32 $0x300;
	s3 =	simm.s32 $0x4700  }
0x24: {  	[tilespmem:s3], [sflag:$0x1] =	stream.indirect.gather [hbm4b:s5+s14], $0x1, s2, s14, $0xb8;
	[tilespmem:$0x9080] =	vst v63  }
0x25: {  	s2 =	simm.s32 $0x380;
	s3 =	simm.s32 $0x4780  }
0x26: {  	[tilespmem:s3], [sflag:$0x1] =	stream.indirect.gather [hbm4b:s5+s14], $0x1, s2, s14, $0xb8;
	[tilespmem:$0x9080] =	vst v63  }
0x27: {  	s2 =	simm.s32 $0x400;
	s3 =	simm.s32 $0x4800  }
0x28: {  	[tilespmem:s3], [sflag:$0x1] =	stream.indirect.gather [hbm4b:s5+s14], $0x1, s2, s14, $0xb8;
	[tilespmem:$0x9080] =	vst v63  }
0x29: {  	s2 =	simm.s32 $0x480;
	s3 =	simm.s32 $0x4880  }
0x2a: {  	[tilespmem:s3], [sflag:$0x1] =	stream.indirect.gather [hbm4b:s5+s14], $0x1, s2, s14, $0xb8;
	[tilespmem:$0x9080] =	vst v63  }
0x2b: {  	s2 =	simm.s32 $0x500;
	s3 =	simm.s32 $0x4900  }
0x2c: {  	[tilespmem:s3], [sflag:$0x1] =	stream.indirect.gather [hbm4b:s5+s14], $0x1, s2, s14, $0xb8;
	[tilespmem:$0x9080] =	vst v63  }
0x2d: {  	_ = 	snop  }
0x2e: {  	[tilespmem:s17], [sflag:$0x1] =	stream.indirect.gather [hbm4b:s5+s14], $0x1, s16, s14, $0xb8;
	[tilespmem:$0x9080] =	vst v63  }
0x2f: {  	_ = 	snop  }
0x30: {  	[tilespmem:s19], [sflag:$0x1] =	stream.indirect.gather [hbm4b:s5+s14], $0x1, s18, s14, $0xb8;
	[tilespmem:$0x9080] =	vst v63  }
0x31: {  	_ = 	snop  }
0x32: {  	[tilespmem:s21], [sflag:$0x1] =	stream.indirect.gather [hbm4b:s5+s14], $0x1, s20, s14, $0xb8;
	[tilespmem:$0x9080] =	vst v63  }
0x33: {  	_ = 	snop  }
0x34: {  	[tilespmem:s23], [sflag:$0x1] =	stream.indirect.gather [hbm4b:s5+s14], $0x1, s22, s14, $0xb8;
	[tilespmem:$0x9080] =	vst v63  }
0x35: {  	_ = 	snop  }
0x36: {  	[tilespmem:s25], [sflag:$0x1] =	stream.indirect.gather [hbm4b:s5+s14], $0x1, s24, s14, $0xb8;
	[tilespmem:$0x9080] =	vst v63  }
0x37: {  	s2 =	rddreg [dreg:$0x1]  }
0x38: {  	[tilespmem:s28], [sflag:$0x2] =	stream.indirect.gather [hbm4b:s2+s26], $0x80, s13, s26, $0xb8;
	[tilespmem:$0x9080] =	vst v63  }
0x39: {  	_ =	swait.ge [sflag:s29], $0x400  }
0x3a: {  	[sflag:s29] =	ssyncset.done $0x0  }
0x3b: {  	[sflag:s29] =	ssyncadd.s32 $0xFFFFFC00  }
0x3c: {  	s3 =	rddreg [dreg:$0x2]  }
0x3d: {  	[tilespmem:s30], [sflag:$0x2] =	stream.indirect.gather [hbm4b:s3+s26], $0x80, s13, s26, $0xb8;
	[tilespmem:$0x9080] =	vst v63  }
0x3e: {  	_ =	swait.ge [sflag:s29], $0x400  }
0x3f: {  	[sflag:s29] =	ssyncset.done $0x0  }
0x40: {  	[sflag:s29] =	ssyncadd.s32 $0xFFFFFC00  }
0x41: {  	[hbm4b:s8+s4] =	stream.linear.scatter [tilespmem:s28], [sflag:$0x3], $0x400, $0x38;
	[tilespmem:$0x9080] =	vst v63  }
0x42: {  	_ =	swait.ge [sflag:s12], $0x400  }
0x43: {  	[sflag:s12] =	ssyncset.done $0x0  }
0x44: {  	[sflag:s12] =	ssyncadd.s32 $0xFFFFFC00  }
0x45: {  	[hbm4b:s9+s4] =	stream.linear.scatter [tilespmem:s30], [sflag:$0x3], $0x400, $0x38;
	[tilespmem:$0x9080] =	vst v63  }
0x46: {  	_ =	swait.ge [sflag:s12], $0x400  }
0x47: {  	[sflag:s12] =	ssyncset.done $0x0  }
0x48: {  	s1 =	simm.s32 $0x4C00;
	s3 =	simm.s32 $0x800;
	[sflag:s12] =	ssyncadd.s32 $0xFFFFFC00  }
0x49: {  	[tilespmem:s1], [sflag:$0x1] =	stream.indirect.gather [hbm4b:s5+s14], $0x1, s3, s14, $0xb8;
	[tilespmem:$0x9080] =	vst v63  }
0x4a: {  	s2 =	simm.s32 $0x200;
	_ =	swait.ge [sflag:s31], $0x80  }
.LBB2_2:
0x4b: {  	s1 =	sshra.s32 s2, $0x2  }
0x4c: {  	[sflag:s31] =	ssyncset.done $0x0;
	p0 =	sne.s32 s2, $0xEE00;
	s3 =	sadd.s32 $0x4C00, s1  }
.Ltmp0:
0x4d: {  	s1 =	sadd.s32 $0x800, s1;
	[sflag:s31] =	ssyncadd.s32 $0xFFFFFF80;
	(pc) =	sbr.rel @p0 .LBB2_2-.Ltmp0, $3  }
0x4e: {  	[tilespmem:s3], [sflag:$0x1] =	stream.indirect.gather [hbm4b:s5+s14], $0x1, s1, s14, $0xb8;
	[tilespmem:$0x9080] =	vst v63  }
0x4f: {  	s2 =	sadd.s32 $0x200, s2;
	_ =	sdelay $0x1  }
0x50: {  	_ =	swait.ge [sflag:s31], $0x80  }
0x51: {  	[sflag:s31] =	ssyncset.done $0x0  }
0x52: {  	[sflag:s31] =	ssyncadd.s32 $0xFFFFFF80  }
0x53: {  	_ =	swait.ge [sflag:s31], $0x80  }
0x54: {  	[sflag:s31] =	ssyncset.done $0x0  }
0x55: {  	[sflag:s31] =	ssyncadd.s32 $0xFFFFFF80  }
0x56: {  	_ =	swait.ge [sflag:s31], $0x80  }
0x57: {  	[sflag:s31] =	ssyncset.done $0x0  }
0x58: {  	[sflag:s31] =	ssyncadd.s32 $0xFFFFFF80  }
0x59: {  	_ =	swait.ge [sflag:s31], $0x80  }
0x5a: {  	[sflag:s31] =	ssyncset.done $0x0  }
0x5b: {  	[sflag:s31] =	ssyncadd.s32 $0xFFFFFF80  }
0x5c: {  	_ =	swait.ge [sflag:s31], $0x80  }
0x5d: {  	[sflag:s31] =	ssyncset.done $0x0  }
0x5e: {  	[sflag:s31] =	ssyncadd.s32 $0xFFFFFF80  }
0x5f: {  	_ =	swait.ge [sflag:s31], $0x80  }
0x60: {  	[sflag:s31] =	ssyncset.done $0x0  }
0x61: {  	[sflag:s31] =	ssyncadd.s32 $0xFFFFFF80  }
0x62: {  	_ =	swait.ge [sflag:s31], $0x80  }
0x63: {  	[sflag:s31] =	ssyncset.done $0x0  }
0x64: {  	[sflag:s31] =	ssyncadd.s32 $0xFFFFFF80  }
0x65: {  	_ =	swait.ge [sflag:s31], $0x80  }
0x66: {  	[sflag:s31] =	ssyncset.done $0x0  }
0x67: {  	[sflag:s31] =	ssyncadd.s32 $0xFFFFFF80  }
0x68: {  	_ =	swait.ge [sflag:s31], $0x80  }
0x69: {  	[sflag:s31] =	ssyncset.done $0x0  }
0x6a: {  	[sflag:s31] =	ssyncadd.s32 $0xFFFFFF80  }
0x6b: {  	_ =	swait.ge [sflag:s31], $0x80  }
0x6c: {  	[sflag:s31] =	ssyncset.done $0x0  }
0x6d: {  	[sflag:s31] =	ssyncadd.s32 $0xFFFFFF80  }
0x6e: {  	_ =	swait.ge [sflag:s31], $0x80  }
0x6f: {  	[sflag:s31] =	ssyncset.done $0x0  }
0x70: {  	[sflag:s31] =	ssyncadd.s32 $0xFFFFFF80  }
0x71: {  	_ =	swait.ge [sflag:s31], $0x80  }
0x72: {  	[sflag:s31] =	ssyncset.done $0x0  }
0x73: {  	[sflag:s31] =	ssyncadd.s32 $0xFFFFFF80  }
0x74: {  	_ =	swait.ge [sflag:s31], $0x80  }
0x75: {  	[sflag:s31] =	ssyncset.done $0x0  }
0x76: {  	[sflag:s31] =	ssyncadd.s32 $0xFFFFFF80  }
0x77: {  	_ =	swait.ge [sflag:s31], $0x80  }
0x78: {  	[sflag:s31] =	ssyncset.done $0x0  }
0x79: {  	[sflag:s31] =	ssyncadd.s32 $0xFFFFFF80  }
0x7a: {  	_ =	swait.ge [sflag:s31], $0x80  }
0x7b: {  	[sflag:s31] =	ssyncset.done $0x0  }
0x7c: {  	[sflag:s31] =	ssyncadd.s32 $0xFFFFFF80  }
0x7d: {  	_ =	swait.ge [sflag:s31], $0x80  }
0x7e: {  	[sflag:s31] =	ssyncset.done $0x0  }
0x7f: {  	[sflag:s31] =	ssyncadd.s32 $0xFFFFFF80  }
0x80: {  	s0 =	sadd.s32 $0x1, s0;
	_ =	swait.ge [sflag:s31], $0x80  }
0x81: {  	p0 =	sne.s32 s0, s11;
	[sflag:s31] =	ssyncset.done $0x0  }
.Ltmp1:
0x82: {  	[sflag:s31] =	ssyncadd.s32 $0xFFFFFF80;
	(pc) =	sbr.rel @p0 .LBB2_1-.Ltmp1, $4  }
0x83: {  	[hbm4b:s10+s4] =	stream.linear.scatter [tilespmem:s15], [sflag:$0x3], $0x4400, $0x38;
	[tilespmem:$0x9080] =	vst v63  }
0x84: {  	_ =	swait.ge [sflag:s12], $0x4400  }
0x85: {  	[sflag:s12] =	ssyncset.done $0x0  }
0x86: {  	[sflag:s12] =	ssyncadd.s32 $0xFFFFBC00  }
0x87: {  	_ =	sfence.sel $0x180000  }
0x88: {  	[bflag:$0x0] =	sbarrier.arrive $0xFFFF  }
0x89: {  	_ =	strace $0x90000047  }
0x8a: {  	s0 =	stileid.u32;
	[bflag:$0x2] =	sbarrier.arrive $0xFFFF  }
0x8b: {  	p0 =	sne.s32 s0, $0x0;
	s0 =	rddreg [dreg:$0x3]  }
0x8c: {  	s0 =	sadd.s32 @!p0 $0x100000, s0  }
0x8d: {  	[sflag:s0] =	ssyncadd.tile.s32 @!p0 $0x1;
	_ =	shalt  }
.Lfunc_end2:
_tile_overlayer_lowered:
.L_overlay_start_2:
0x8e: {  	(tag) =	ssettag $0x2  }
0x8f: {  	s0 =	rddreg [dreg:$0x0];
	s2 =	stileid.u32  }
0x90: {  	s1 =	rddreg [dreg:$0x1];
	p0 =	sne.s32 s2, $0x0  }
0x91: {  	s3 =	rddreg [dreg:$0x2];
	[bflag:$0x3] =	sbarrier.arrive $0xFFFF;
	s2 =	simm.s32 @!p0 $0x1C03  }
0x92: {  	[timem:s3], [sflag:s2] =	dma.local @!p0 [hbm:s0], s1  }
0x93: {  	s0 =	simm.s32 @!p0 $0x3  }
0x94: {  	_ =	swait.ge @!p0 [sflag:s0], s1  }
0x95: {  	s1 =	ssub.s32 @!p0 $0x0, s1;
	[sflag:s0] =	ssyncset.done @!p0 $0x0  }
0x96: {  	[sflag:s0] =	ssyncadd.s32 @!p0 s1  }
0x97: {  	[bflag:$0x3] =	sbarrier.arrive $0xFFFF  }
0x98: {  	_ =	shalt  }

</sc_bundles>
